<compile_context>
chip_gen: v7x
topology: tpu7x:2x2x1
jax: 0.10.2.dev20260603
libtpu: 0.0.44.dev20260713+nightly
codegen_flags: <defaults>
</compile_context>

<pallas_src>
import functools

import jax
import jax.numpy as jnp
from jax import lax
from jax.experimental import pallas as pl
from jax.experimental.pallas import tpu as pltpu
from jax.experimental.pallas import tpu_sc as plsc

_NC = 2
_NS = 16
_NW = _NC * _NS


def _make_sc_gather(num_signals, batch, a_cols, p_rows, gw_rows):
    b_per_w = batch // _NW
    mesh = plsc.VectorSubcoreMesh(core_axis_name="c", subcore_axis_name="s")

    @functools.partial(
        pl.kernel,
        mesh=mesh,
        out_type=(
            jax.ShapeDtypeStruct((2 * p_rows, batch), jnp.float32),
            jax.ShapeDtypeStruct((batch, a_cols), jnp.float32),
            jax.ShapeDtypeStruct((gw_rows, batch), jnp.float32),
        ),
        scratch_types=[
            pltpu.VMEM((batch // 128, 128), jnp.int32),
            pltpu.VMEM((b_per_w, a_cols), jnp.float32),
            pltpu.VMEM((batch,), jnp.float32),
            pltpu.VMEM((batch,), jnp.float32),
            pltpu.VMEM((batch,), jnp.float32),
            pltpu.SemaphoreType.DMA,
            pltpu.SemaphoreType.DMA,
        ],
        compiler_params=pltpu.CompilerParams(use_tc_tiling_on_sc=False),
    )
    def gather_kernel(idx_hbm, pp_hbm, po_hbm, a_hbm, gw_hbm,
                      p_out, a_out, gw_out,
                      idx_v, a_v, pp_v, po_v, gw_v,
                      sem_a, sem_small):
        wid = lax.axis_index("s") * _NC + lax.axis_index("c")
        n_chunks = batch // 128

        pltpu.sync_copy(idx_hbm, idx_v)

        gw_row = wid - gw_rows
        has_gw = wid >= gw_rows

        a_chunk0 = wid * (b_per_w // 128)
        a_copies = [
            pltpu.async_copy(
                a_hbm.at[idx_v.at[a_chunk0 + i]],
                a_v.at[pl.ds(128 * i, 128)], sem_a)
            for i in range(b_per_w // 128)
        ]

        def chunk_body(g, _):
            js = pl.ds(g * 128, 128)
            idx_c = idx_v.at[g]
            cp_pp = pltpu.async_copy(pp_hbm.at[wid].at[idx_c],
                                     pp_v.at[js], sem_small)
            cp_po = pltpu.async_copy(po_hbm.at[wid].at[idx_c],
                                     po_v.at[js], sem_small)

            @pl.when(has_gw)
            def _():
                pltpu.async_copy(gw_hbm.at[gw_row].at[idx_c],
                                 gw_v.at[js], sem_small).wait()

            cp_pp.wait()
            cp_po.wait()
            return 0

        lax.fori_loop(0, n_chunks, chunk_body, 0)

        p_row = 2 * wid - lax.rem(wid, 2)
        pltpu.sync_copy(pp_v, p_out.at[p_row])
        pltpu.sync_copy(po_v, p_out.at[p_row + 2])

        @pl.when(has_gw)
        def _():
            pltpu.sync_copy(gw_v, gw_out.at[gw_row])

        for cp in a_copies:
            cp.wait()
        pltpu.sync_copy(a_v, a_out.at[pl.ds(wid * b_per_w, b_per_w)])

    return gather_kernel


def kernel(idx, p_pos, p_ori, a, gaussian_window):
    num_signals, num_latents, pos_dims = p_pos.shape
    batch = idx.shape[0]
    latent_dim = a.shape[-1]
    ori_dims = p_ori.shape[-1]

    ppt = jnp.transpose(p_pos, (1, 2, 0)).reshape(num_latents * pos_dims,
                                                  num_signals)
    pot = jnp.transpose(p_ori, (1, 2, 0)).reshape(num_latents * ori_dims,
                                                  num_signals)
    gwt = jnp.transpose(gaussian_window, (1, 2, 0)).reshape(num_latents,
                                                            num_signals)
    a_sm = a.reshape(num_signals, num_latents * latent_dim)

    fn = _make_sc_gather(num_signals, batch, a_sm.shape[1], ppt.shape[0],
                         gwt.shape[0])
    p_t, a_r, gw_t = fn(idx.reshape(batch // 128, 128), ppt, pot, a_sm, gwt)

    p = jnp.transpose(
        p_t.reshape(num_latents, pos_dims + ori_dims, batch), (2, 0, 1))
    a_g = a_r.reshape(batch, num_latents, latent_dim)
    gw_g = jnp.transpose(gw_t.reshape(num_latents, 1, batch), (2, 0, 1))
    return (p, a_g, gw_g)

# --- scband reference (transcript-rebuilt; emitter-appended) ---
"""Pipeline reference for scband-position-orientation-feature-autodecoder-27908697489441 (READ-ONLY COPY).

The authoritative reference and input builder live on the scoring server;
editing this copy changes nothing except your own understanding.
"""

import jax, jax.numpy as jnp
import numpy as np

NUM_SIGNALS = 100000
NUM_LATENTS = 16
LATENT_DIM = 32
NUM_POS_DIMS = 2
NUM_ORI_DIMS = 2
BATCH = 4096


def _init_positions_grid(shape):
    num_signals, num_latents, d = shape
    n_per_dim = int(round(num_latents ** (1.0 / d)))
    lin = jnp.linspace(-1.0, 1.0, n_per_dim, dtype=jnp.float32)
    grid = jnp.stack(jnp.meshgrid(*([lin] * d), indexing='ij'), axis=-1).reshape(num_latents, d)
    return jnp.broadcast_to(grid[None, :, :], (num_signals, num_latents, d)) + jnp.zeros((num_signals, 1, 1), dtype=jnp.float32)


def _init_ori_rotation_invariant_s2(key, shape):
    num_signals, num_latents, d = shape
    theta = jax.random.uniform(key, (num_signals, num_latents), minval=0.0, maxval=2.0 * jnp.pi, dtype=jnp.float32)
    return jnp.stack([jnp.cos(theta), jnp.sin(theta)], axis=-1)


def setup_inputs(seed: int = 0) -> dict:
    key = jax.random.key(seed)
    k_idx, k_ori = jax.random.split(key, 2)
    idx = jax.random.randint(k_idx, (BATCH,), 0, NUM_SIGNALS).astype(jnp.int32)
    p_pos = _init_positions_grid((NUM_SIGNALS, NUM_LATENTS, NUM_POS_DIMS))
    p_ori = _init_ori_rotation_invariant_s2(k_ori, (NUM_SIGNALS, NUM_LATENTS, NUM_POS_DIMS))
    a = jnp.ones((NUM_SIGNALS, NUM_LATENTS, LATENT_DIM), dtype=jnp.float32)
    # cartesian: num_latents_per_dim = round(16**(1/2)) = 4; gw = num_pos_dims / 4 = 0.5
    num_latents_per_dim = int(round(NUM_LATENTS ** (1.0 / NUM_POS_DIMS), 5))
    gw_val = NUM_POS_DIMS / num_latents_per_dim
    gaussian_window = jnp.full((NUM_SIGNALS, NUM_LATENTS, 1), gw_val, dtype=jnp.float32)
    return {"idx": idx, "p_pos": p_pos, "p_ori": p_ori, "a": a, "gaussian_window": gaussian_window}


def reference(idx, p_pos, p_ori, a, gaussian_window):
    pp = jnp.take(p_pos, idx, axis=0)
    po = jnp.take(p_ori, idx, axis=0)
    p = jnp.concatenate((pp, po), axis=-1)
    a_g = jnp.take(a, idx, axis=0)
    gw_g = jnp.take(gaussian_window, idx, axis=0)
    return (p, a_g, gw_g)

if __name__ == "__main__":
    import jax
    _d = setup_inputs()
    print(jax.jit(kernel)(*tuple(_d.values())))

</pallas_src>

<mosaic_0001>
#map = affine_map<(d0, d1) -> (0, 0)>
module attributes {stable_mosaic.version = 14 : i64} {
  func.func @gather_kernel(%arg0: i32, %arg1: i32, %arg2: memref<32x128xi32, #tpu.memory_space<hbm>>, %arg3: memref<32x100000xf32, #tpu.memory_space<hbm>>, %arg4: memref<32x100000xf32, #tpu.memory_space<hbm>>, %arg5: memref<100000x512xf32, #tpu.memory_space<hbm>>, %arg6: memref<16x100000xf32, #tpu.memory_space<hbm>>, %arg7: memref<64x4096xf32, #tpu.memory_space<hbm>>, %arg8: memref<4096x512xf32, #tpu.memory_space<hbm>>, %arg9: memref<16x4096xf32, #tpu.memory_space<hbm>>, %arg10: memref<32x128xi32, #tpu.memory_space<vmem>>, %arg11: memref<128x512xf32, #tpu.memory_space<vmem>>, %arg12: memref<4096xf32, #tpu.memory_space<vmem>>, %arg13: memref<4096xf32, #tpu.memory_space<vmem>>, %arg14: memref<4096xf32, #tpu.memory_space<vmem>>, %arg15: memref<!tpu.dma_semaphore, #tpu.memory_space<semaphore_mem>>, %arg16: memref<!tpu.dma_semaphore, #tpu.memory_space<semaphore_mem>>) attributes {dimension_semantics = [#tpu.dimension_semantics<core_parallel>, #tpu.dimension_semantics<subcore_parallel>], iteration_bounds = array<i64: 2, 16>, scalar_prefetch = 0 : i64, scratch_operands = 7 : i64, tpu.core_type = #tpu.core_type<sc_vector_subcore>, window_params = [{transform_indices = #map}, {transform_indices = #map}, {transform_indices = #map}, {transform_indices = #map}, {transform_indices = #map}, {transform_indices = #map}, {transform_indices = #map}, {transform_indices = #map}]} {
    %mul3A = arith.constant 2 : i32
    %mul3A_0 = arith.muli %arg1, %mul3A : i32
    %add3A = arith.addi %mul3A_0, %arg0 : i32
    "tpu.region"() ({
      %run_scoped3A = tpu.sem_alloc : memref<!tpu.dma_semaphore, #tpu.memory_space<semaphore_mem>>
      tpu.enqueue_dma source(%arg2 : memref<32x128xi32, #tpu.memory_space<hbm>>) target(%arg10 : memref<32x128xi32, #tpu.memory_space<vmem>>) target_semaphore(%run_scoped3A : memref<!tpu.dma_semaphore, #tpu.memory_space<semaphore_mem>>)
      tpu.wait_dma2 semaphore(%run_scoped3A : memref<!tpu.dma_semaphore, #tpu.memory_space<semaphore_mem>>) src(%arg2 : memref<32x128xi32, #tpu.memory_space<hbm>>) dst(%arg10 : memref<32x128xi32, #tpu.memory_space<vmem>>)
      tpu.yield
    }) : () -> ()
    %sub3A = arith.constant 16 : i32
    %sub3A_1 = arith.subi %add3A, %sub3A : i32
    %ge3A = arith.constant 16 : i32
    %ge3A_2 = arith.cmpi sge, %add3A, %ge3A : i32
    %mul3A_3 = arith.constant 1 : i32
    %mul3A_4 = arith.muli %add3A, %mul3A_3 : i32
    %add3A_5 = arith.constant 0 : i32
    %add3A_6 = arith.addi %mul3A_4, %add3A_5 : i32
    %dma_start3A = arith.constant 0 : i32
    %dma_start3A_7 = arith.constant 0 : i32
    %dma_start3A_8 = tpu.memref_slice %arg11[%dma_start3A, %dma_start3A_7] : memref<128x512xf32, #tpu.memory_space<vmem>> -> memref<128x512xf32, #tpu.memory_space<vmem>>
    %dma_start3A_9 = arith.constant 0 : i32
    %dma_start3A_10 = tpu.memref_slice %arg10[%add3A_6, %dma_start3A_9] : memref<32x128xi32, #tpu.memory_space<vmem>> -> memref<1x128xi32, #tpu.memory_space<vmem>>
    %dma_start3A_11 = tpu.memref_squeeze %dma_start3A_10 : memref<1x128xi32, #tpu.memory_space<vmem>> -> memref<128xi32, #tpu.memory_space<vmem>>
    %dma_start3A_12 = arith.constant 0 : i32
    %dma_start3A_13 = arith.constant 0 : i32
    %dma_start3A_14 = tpu.memref_slice %arg5[%dma_start3A_12, %dma_start3A_13] : memref<100000x512xf32, #tpu.memory_space<hbm>> -> memref<100000x512xf32, #tpu.memory_space<hbm>>
    tpu.enqueue_indirect_dma source(%dma_start3A_14 : memref<100000x512xf32, #tpu.memory_space<hbm>>) target(%dma_start3A_8 : memref<128x512xf32, #tpu.memory_space<vmem>>) offsets(%dma_start3A_11 : memref<128xi32, #tpu.memory_space<vmem>>) semaphore(%arg15 : memref<!tpu.dma_semaphore, #tpu.memory_space<semaphore_mem>>)
    %scan3A = arith.constant 0 : i32
    %scan3A_15 = arith.constant 0 : i32
    %scan3A_16 = arith.constant 32 : i32
    %scan3A_17 = arith.addi %scan3A_15, %scan3A_16 : i32
    %scan3A_18 = arith.constant 1 : i32
    %scan3A_19 = scf.for %scan3A_38 = %scan3A_15 to %scan3A_17 step %scan3A_18 iter_args(%scan3A_39 = %scan3A) -> (i32)  : i32 {
      %mul3A_40 = arith.constant 128 : i32
      %mul3A_41 = arith.muli %scan3A_38, %mul3A_40 : i32
      %dma_start3A_42 = tpu.memref_slice %arg12[%mul3A_41] : memref<4096xf32, #tpu.memory_space<vmem>> -> memref<128xf32, #tpu.memory_space<vmem>>
      %dma_start3A_43 = arith.constant 0 : i32
      %dma_start3A_44 = tpu.memref_slice %arg10[%scan3A_38, %dma_start3A_43] : memref<32x128xi32, #tpu.memory_space<vmem>> -> memref<1x128xi32, #tpu.memory_space<vmem>>
      %dma_start3A_45 = tpu.memref_squeeze %dma_start3A_44 : memref<1x128xi32, #tpu.memory_space<vmem>> -> memref<128xi32, #tpu.memory_space<vmem>>
      %dma_start3A_46 = arith.constant 0 : i32
      %dma_start3A_47 = tpu.memref_slice %arg3[%add3A, %dma_start3A_46] : memref<32x100000xf32, #tpu.memory_space<hbm>> -> memref<1x100000xf32, #tpu.memory_space<hbm>>
      %dma_start3A_48 = tpu.memref_squeeze %dma_start3A_47 : memref<1x100000xf32, #tpu.memory_space<hbm>> -> memref<100000xf32, #tpu.memory_space<hbm>>
      %dma_start3A_49 = arith.constant 0 : i32
      %dma_start3A_50 = tpu.memref_slice %dma_start3A_48[%dma_start3A_49] : memref<100000xf32, #tpu.memory_space<hbm>> -> memref<100000xf32, #tpu.memory_space<hbm>>
      tpu.enqueue_indirect_dma source(%dma_start3A_50 : memref<100000xf32, #tpu.memory_space<hbm>>) target(%dma_start3A_42 : memref<128xf32, #tpu.memory_space<vmem>>) offsets(%dma_start3A_45 : memref<128xi32, #tpu.memory_space<vmem>>) semaphore(%arg16 : memref<!tpu.dma_semaphore, #tpu.memory_space<semaphore_mem>>)
      %dma_start3A_51 = tpu.memref_slice %arg13[%mul3A_41] : memref<4096xf32, #tpu.memory_space<vmem>> -> memref<128xf32, #tpu.memory_space<vmem>>
      %dma_start3A_52 = arith.constant 0 : i32
      %dma_start3A_53 = tpu.memref_slice %arg10[%scan3A_38, %dma_start3A_52] : memref<32x128xi32, #tpu.memory_space<vmem>> -> memref<1x128xi32, #tpu.memory_space<vmem>>
      %dma_start3A_54 = tpu.memref_squeeze %dma_start3A_53 : memref<1x128xi32, #tpu.memory_space<vmem>> -> memref<128xi32, #tpu.memory_space<vmem>>
      %dma_start3A_55 = arith.constant 0 : i32
      %dma_start3A_56 = tpu.memref_slice %arg4[%add3A, %dma_start3A_55] : memref<32x100000xf32, #tpu.memory_space<hbm>> -> memref<1x100000xf32, #tpu.memory_space<hbm>>
      %dma_start3A_57 = tpu.memref_squeeze %dma_start3A_56 : memref<1x100000xf32, #tpu.memory_space<hbm>> -> memref<100000xf32, #tpu.memory_space<hbm>>
      %dma_start3A_58 = arith.constant 0 : i32
      %dma_start3A_59 = tpu.memref_slice %dma_start3A_57[%dma_start3A_58] : memref<100000xf32, #tpu.memory_space<hbm>> -> memref<100000xf32, #tpu.memory_space<hbm>>
      tpu.enqueue_indirect_dma source(%dma_start3A_59 : memref<100000xf32, #tpu.memory_space<hbm>>) target(%dma_start3A_51 : memref<128xf32, #tpu.memory_space<vmem>>) offsets(%dma_start3A_54 : memref<128xi32, #tpu.memory_space<vmem>>) semaphore(%arg16 : memref<!tpu.dma_semaphore, #tpu.memory_space<semaphore_mem>>)
      %convert_element_type3A_60 = arith.extui %ge3A_2 : i1 to i32
      %cond3A_61 = arith.constant 0 : i32
      %cond3A_62 = arith.cmpi ne, %convert_element_type3A_60, %cond3A_61 : i32
      scf.if %cond3A_62 {
        %dma_start3A_82 = tpu.memref_slice %arg14[%mul3A_41] : memref<4096xf32, #tpu.memory_space<vmem>> -> memref<128xf32, #tpu.memory_space<vmem>>
        %dma_start3A_83 = arith.constant 0 : i32
        %dma_start3A_84 = tpu.memref_slice %arg10[%scan3A_38, %dma_start3A_83] : memref<32x128xi32, #tpu.memory_space<vmem>> -> memref<1x128xi32, #tpu.memory_space<vmem>>
        %dma_start3A_85 = tpu.memref_squeeze %dma_start3A_84 : memref<1x128xi32, #tpu.memory_space<vmem>> -> memref<128xi32, #tpu.memory_space<vmem>>
        %dma_start3A_86 = arith.constant 0 : i32
        %dma_start3A_87 = tpu.memref_slice %arg6[%sub3A_1, %dma_start3A_86] : memref<16x100000xf32, #tpu.memory_space<hbm>> -> memref<1x100000xf32, #tpu.memory_space<hbm>>
        %dma_start3A_88 = tpu.memref_squeeze %dma_start3A_87 : memref<1x100000xf32, #tpu.memory_space<hbm>> -> memref<100000xf32, #tpu.memory_space<hbm>>
        %dma_start3A_89 = arith.constant 0 : i32
        %dma_start3A_90 = tpu.memref_slice %dma_start3A_88[%dma_start3A_89] : memref<100000xf32, #tpu.memory_space<hbm>> -> memref<100000xf32, #tpu.memory_space<hbm>>
        tpu.enqueue_indirect_dma source(%dma_start3A_90 : memref<100000xf32, #tpu.memory_space<hbm>>) target(%dma_start3A_82 : memref<128xf32, #tpu.memory_space<vmem>>) offsets(%dma_start3A_85 : memref<128xi32, #tpu.memory_space<vmem>>) semaphore(%arg16 : memref<!tpu.dma_semaphore, #tpu.memory_space<semaphore_mem>>)
        %dma_wait3A_91 = tpu.memref_slice %arg14[%mul3A_41] : memref<4096xf32, #tpu.memory_space<vmem>> -> memref<128xf32, #tpu.memory_space<vmem>>
        %dma_wait3A_92 = arith.constant 0 : i32
        %dma_wait3A_93 = tpu.memref_slice %arg10[%scan3A_38, %dma_wait3A_92] : memref<32x128xi32, #tpu.memory_space<vmem>> -> memref<1x128xi32, #tpu.memory_space<vmem>>
        %dma_wait3A_94 = tpu.memref_squeeze %dma_wait3A_93 : memref<1x128xi32, #tpu.memory_space<vmem>> -> memref<128xi32, #tpu.memory_space<vmem>>
        %dma_wait3A_95 = arith.constant 0 : i32
        %dma_wait3A_96 = tpu.memref_slice %arg6[%sub3A_1, %dma_wait3A_95] : memref<16x100000xf32, #tpu.memory_space<hbm>> -> memref<1x100000xf32, #tpu.memory_space<hbm>>
        %dma_wait3A_97 = tpu.memref_squeeze %dma_wait3A_96 : memref<1x100000xf32, #tpu.memory_space<hbm>> -> memref<100000xf32, #tpu.memory_space<hbm>>
        %dma_wait3A_98 = arith.constant 0 : i32
        %dma_wait3A_99 = tpu.memref_slice %dma_wait3A_97[%dma_wait3A_98] : memref<100000xf32, #tpu.memory_space<hbm>> -> memref<100000xf32, #tpu.memory_space<hbm>>
        tpu.wait_indirect_dma semaphore(%arg16 : memref<!tpu.dma_semaphore, #tpu.memory_space<semaphore_mem>>) src(%dma_wait3A_99 : memref<100000xf32, #tpu.memory_space<hbm>>) dst(%dma_wait3A_91 : memref<128xf32, #tpu.memory_space<vmem>>)
      } else {
      }
      %dma_wait3A_63 = tpu.memref_slice %arg12[%mul3A_41] : memref<4096xf32, #tpu.memory_space<vmem>> -> memref<128xf32, #tpu.memory_space<vmem>>
      %dma_wait3A_64 = arith.constant 0 : i32
      %dma_wait3A_65 = tpu.memref_slice %arg10[%scan3A_38, %dma_wait3A_64] : memref<32x128xi32, #tpu.memory_space<vmem>> -> memref<1x128xi32, #tpu.memory_space<vmem>>
      %dma_wait3A_66 = tpu.memref_squeeze %dma_wait3A_65 : memref<1x128xi32, #tpu.memory_space<vmem>> -> memref<128xi32, #tpu.memory_space<vmem>>
      %dma_wait3A_67 = arith.constant 0 : i32
      %dma_wait3A_68 = tpu.memref_slice %arg3[%add3A, %dma_wait3A_67] : memref<32x100000xf32, #tpu.memory_space<hbm>> -> memref<1x100000xf32, #tpu.memory_space<hbm>>
      %dma_wait3A_69 = tpu.memref_squeeze %dma_wait3A_68 : memref<1x100000xf32, #tpu.memory_space<hbm>> -> memref<100000xf32, #tpu.memory_space<hbm>>
      %dma_wait3A_70 = arith.constant 0 : i32
      %dma_wait3A_71 = tpu.memref_slice %dma_wait3A_69[%dma_wait3A_70] : memref<100000xf32, #tpu.memory_space<hbm>> -> memref<100000xf32, #tpu.memory_space<hbm>>
      tpu.wait_indirect_dma semaphore(%arg16 : memref<!tpu.dma_semaphore, #tpu.memory_space<semaphore_mem>>) src(%dma_wait3A_71 : memref<100000xf32, #tpu.memory_space<hbm>>) dst(%dma_wait3A_63 : memref<128xf32, #tpu.memory_space<vmem>>)
      %dma_wait3A_72 = tpu.memref_slice %arg13[%mul3A_41] : memref<4096xf32, #tpu.memory_space<vmem>> -> memref<128xf32, #tpu.memory_space<vmem>>
      %dma_wait3A_73 = arith.constant 0 : i32
      %dma_wait3A_74 = tpu.memref_slice %arg10[%scan3A_38, %dma_wait3A_73] : memref<32x128xi32, #tpu.memory_space<vmem>> -> memref<1x128xi32, #tpu.memory_space<vmem>>
      %dma_wait3A_75 = tpu.memref_squeeze %dma_wait3A_74 : memref<1x128xi32, #tpu.memory_space<vmem>> -> memref<128xi32, #tpu.memory_space<vmem>>
      %dma_wait3A_76 = arith.constant 0 : i32
      %dma_wait3A_77 = tpu.memref_slice %arg4[%add3A, %dma_wait3A_76] : memref<32x100000xf32, #tpu.memory_space<hbm>> -> memref<1x100000xf32, #tpu.memory_space<hbm>>
      %dma_wait3A_78 = tpu.memref_squeeze %dma_wait3A_77 : memref<1x100000xf32, #tpu.memory_space<hbm>> -> memref<100000xf32, #tpu.memory_space<hbm>>
      %dma_wait3A_79 = arith.constant 0 : i32
      %dma_wait3A_80 = tpu.memref_slice %dma_wait3A_78[%dma_wait3A_79] : memref<100000xf32, #tpu.memory_space<hbm>> -> memref<100000xf32, #tpu.memory_space<hbm>>
      tpu.wait_indirect_dma semaphore(%arg16 : memref<!tpu.dma_semaphore, #tpu.memory_space<semaphore_mem>>) src(%dma_wait3A_80 : memref<100000xf32, #tpu.memory_space<hbm>>) dst(%dma_wait3A_72 : memref<128xf32, #tpu.memory_space<vmem>>)
      %scan3A_81 = arith.constant 0 : i32
      scf.yield %scan3A_81 : i32
    }
    %scan3A_20 = arith.constant 32 : i32
    %mul3A_21 = arith.constant 2 : i32
    %mul3A_22 = arith.muli %mul3A_21, %add3A : i32
    %rem3A = arith.constant 2 : i32
    %rem3A_23 = arith.remsi %add3A, %rem3A : i32
    %sub3A_24 = arith.subi %mul3A_22, %rem3A_23 : i32
    "tpu.region"() ({
      %run_scoped3A = tpu.sem_alloc : memref<!tpu.dma_semaphore, #tpu.memory_space<semaphore_mem>>
      %dma_start3A_38 = arith.constant 0 : i32
      %dma_start3A_39 = tpu.memref_slice %arg7[%sub3A_24, %dma_start3A_38] : memref<64x4096xf32, #tpu.memory_space<hbm>> -> memref<1x4096xf32, #tpu.memory_space<hbm>>
      %dma_start3A_40 = tpu.memref_squeeze %dma_start3A_39 : memref<1x4096xf32, #tpu.memory_space<hbm>> -> memref<4096xf32, #tpu.memory_space<hbm>>
      %dma_start3A_41 = arith.constant 0 : i32
      %dma_start3A_42 = tpu.memref_slice %arg7[%sub3A_24, %dma_start3A_41] : memref<64x4096xf32, #tpu.memory_space<hbm>> -> memref<1x4096xf32, #tpu.memory_space<hbm>>
      %dma_start3A_43 = tpu.memref_squeeze %dma_start3A_42 : memref<1x4096xf32, #tpu.memory_space<hbm>> -> memref<4096xf32, #tpu.memory_space<hbm>>
      tpu.enqueue_dma source(%arg12 : memref<4096xf32, #tpu.memory_space<vmem>>) target(%dma_start3A_43 : memref<4096xf32, #tpu.memory_space<hbm>>) target_semaphore(%run_scoped3A : memref<!tpu.dma_semaphore, #tpu.memory_space<semaphore_mem>>)
      %dma_wait3A_44 = arith.constant 0 : i32
      %dma_wait3A_45 = tpu.memref_slice %arg7[%sub3A_24, %dma_wait3A_44] : memref<64x4096xf32, #tpu.memory_space<hbm>> -> memref<1x4096xf32, #tpu.memory_space<hbm>>
      %dma_wait3A_46 = tpu.memref_squeeze %dma_wait3A_45 : memref<1x4096xf32, #tpu.memory_space<hbm>> -> memref<4096xf32, #tpu.memory_space<hbm>>
      %dma_wait3A_47 = arith.constant 0 : i32
      %dma_wait3A_48 = tpu.memref_slice %arg7[%sub3A_24, %dma_wait3A_47] : memref<64x4096xf32, #tpu.memory_space<hbm>> -> memref<1x4096xf32, #tpu.memory_space<hbm>>
      %dma_wait3A_49 = tpu.memref_squeeze %dma_wait3A_48 : memref<1x4096xf32, #tpu.memory_space<hbm>> -> memref<4096xf32, #tpu.memory_space<hbm>>
      tpu.wait_dma2 semaphore(%run_scoped3A : memref<!tpu.dma_semaphore, #tpu.memory_space<semaphore_mem>>) src(%arg12 : memref<4096xf32, #tpu.memory_space<vmem>>) dst(%dma_wait3A_49 : memref<4096xf32, #tpu.memory_space<hbm>>)
      tpu.yield
    }) : () -> ()
    %add3A_25 = arith.constant 2 : i32
    %add3A_26 = arith.addi %sub3A_24, %add3A_25 : i32
    "tpu.region"() ({
      %run_scoped3A = tpu.sem_alloc : memref<!tpu.dma_semaphore, #tpu.memory_space<semaphore_mem>>
      %dma_start3A_38 = arith.constant 0 : i32
      %dma_start3A_39 = tpu.memref_slice %arg7[%add3A_26, %dma_start3A_38] : memref<64x4096xf32, #tpu.memory_space<hbm>> -> memref<1x4096xf32, #tpu.memory_space<hbm>>
      %dma_start3A_40 = tpu.memref_squeeze %dma_start3A_39 : memref<1x4096xf32, #tpu.memory_space<hbm>> -> memref<4096xf32, #tpu.memory_space<hbm>>
      %dma_start3A_41 = arith.constant 0 : i32
      %dma_start3A_42 = tpu.memref_slice %arg7[%add3A_26, %dma_start3A_41] : memref<64x4096xf32, #tpu.memory_space<hbm>> -> memref<1x4096xf32, #tpu.memory_space<hbm>>
      %dma_start3A_43 = tpu.memref_squeeze %dma_start3A_42 : memref<1x4096xf32, #tpu.memory_space<hbm>> -> memref<4096xf32, #tpu.memory_space<hbm>>
      tpu.enqueue_dma source(%arg13 : memref<4096xf32, #tpu.memory_space<vmem>>) target(%dma_start3A_43 : memref<4096xf32, #tpu.memory_space<hbm>>) target_semaphore(%run_scoped3A : memref<!tpu.dma_semaphore, #tpu.memory_space<semaphore_mem>>)
      %dma_wait3A_44 = arith.constant 0 : i32
      %dma_wait3A_45 = tpu.memref_slice %arg7[%add3A_26, %dma_wait3A_44] : memref<64x4096xf32, #tpu.memory_space<hbm>> -> memref<1x4096xf32, #tpu.memory_space<hbm>>
      %dma_wait3A_46 = tpu.memref_squeeze %dma_wait3A_45 : memref<1x4096xf32, #tpu.memory_space<hbm>> -> memref<4096xf32, #tpu.memory_space<hbm>>
      %dma_wait3A_47 = arith.constant 0 : i32
      %dma_wait3A_48 = tpu.memref_slice %arg7[%add3A_26, %dma_wait3A_47] : memref<64x4096xf32, #tpu.memory_space<hbm>> -> memref<1x4096xf32, #tpu.memory_space<hbm>>
      %dma_wait3A_49 = tpu.memref_squeeze %dma_wait3A_48 : memref<1x4096xf32, #tpu.memory_space<hbm>> -> memref<4096xf32, #tpu.memory_space<hbm>>
      tpu.wait_dma2 semaphore(%run_scoped3A : memref<!tpu.dma_semaphore, #tpu.memory_space<semaphore_mem>>) src(%arg13 : memref<4096xf32, #tpu.memory_space<vmem>>) dst(%dma_wait3A_49 : memref<4096xf32, #tpu.memory_space<hbm>>)
      tpu.yield
    }) : () -> ()
    %convert_element_type3A = arith.extui %ge3A_2 : i1 to i32
    %cond3A = arith.constant 0 : i32
    %cond3A_27 = arith.cmpi ne, %convert_element_type3A, %cond3A : i32
    scf.if %cond3A_27 {
      "tpu.region"() ({
        %run_scoped3A = tpu.sem_alloc : memref<!tpu.dma_semaphore, #tpu.memory_space<semaphore_mem>>
        %dma_start3A_38 = arith.constant 0 : i32
        %dma_start3A_39 = tpu.memref_slice %arg9[%sub3A_1, %dma_start3A_38] : memref<16x4096xf32, #tpu.memory_space<hbm>> -> memref<1x4096xf32, #tpu.memory_space<hbm>>
        %dma_start3A_40 = tpu.memref_squeeze %dma_start3A_39 : memref<1x4096xf32, #tpu.memory_space<hbm>> -> memref<4096xf32, #tpu.memory_space<hbm>>
        %dma_start3A_41 = arith.constant 0 : i32
        %dma_start3A_42 = tpu.memref_slice %arg9[%sub3A_1, %dma_start3A_41] : memref<16x4096xf32, #tpu.memory_space<hbm>> -> memref<1x4096xf32, #tpu.memory_space<hbm>>
        %dma_start3A_43 = tpu.memref_squeeze %dma_start3A_42 : memref<1x4096xf32, #tpu.memory_space<hbm>> -> memref<4096xf32, #tpu.memory_space<hbm>>
        tpu.enqueue_dma source(%arg14 : memref<4096xf32, #tpu.memory_space<vmem>>) target(%dma_start3A_43 : memref<4096xf32, #tpu.memory_space<hbm>>) target_semaphore(%run_scoped3A : memref<!tpu.dma_semaphore, #tpu.memory_space<semaphore_mem>>)
        %dma_wait3A_44 = arith.constant 0 : i32
        %dma_wait3A_45 = tpu.memref_slice %arg9[%sub3A_1, %dma_wait3A_44] : memref<16x4096xf32, #tpu.memory_space<hbm>> -> memref<1x4096xf32, #tpu.memory_space<hbm>>
        %dma_wait3A_46 = tpu.memref_squeeze %dma_wait3A_45 : memref<1x4096xf32, #tpu.memory_space<hbm>> -> memref<4096xf32, #tpu.memory_space<hbm>>
        %dma_wait3A_47 = arith.constant 0 : i32
        %dma_wait3A_48 = tpu.memref_slice %arg9[%sub3A_1, %dma_wait3A_47] : memref<16x4096xf32, #tpu.memory_space<hbm>> -> memref<1x4096xf32, #tpu.memory_space<hbm>>
        %dma_wait3A_49 = tpu.memref_squeeze %dma_wait3A_48 : memref<1x4096xf32, #tpu.memory_space<hbm>> -> memref<4096xf32, #tpu.memory_space<hbm>>
        tpu.wait_dma2 semaphore(%run_scoped3A : memref<!tpu.dma_semaphore, #tpu.memory_space<semaphore_mem>>) src(%arg14 : memref<4096xf32, #tpu.memory_space<vmem>>) dst(%dma_wait3A_49 : memref<4096xf32, #tpu.memory_space<hbm>>)
        tpu.yield
      }) : () -> ()
    } else {
    }
    %dma_wait3A = arith.constant 0 : i32
    %dma_wait3A_28 = arith.constant 0 : i32
    %dma_wait3A_29 = tpu.memref_slice %arg11[%dma_wait3A, %dma_wait3A_28] : memref<128x512xf32, #tpu.memory_space<vmem>> -> memref<128x512xf32, #tpu.memory_space<vmem>>
    %dma_wait3A_30 = arith.constant 0 : i32
    %dma_wait3A_31 = tpu.memref_slice %arg10[%add3A_6, %dma_wait3A_30] : memref<32x128xi32, #tpu.memory_space<vmem>> -> memref<1x128xi32, #tpu.memory_space<vmem>>
    %dma_wait3A_32 = tpu.memref_squeeze %dma_wait3A_31 : memref<1x128xi32, #tpu.memory_space<vmem>> -> memref<128xi32, #tpu.memory_space<vmem>>
    %dma_wait3A_33 = arith.constant 0 : i32
    %dma_wait3A_34 = arith.constant 0 : i32
    %dma_wait3A_35 = tpu.memref_slice %arg5[%dma_wait3A_33, %dma_wait3A_34] : memref<100000x512xf32, #tpu.memory_space<hbm>> -> memref<100000x512xf32, #tpu.memory_space<hbm>>
    tpu.wait_indirect_dma semaphore(%arg15 : memref<!tpu.dma_semaphore, #tpu.memory_space<semaphore_mem>>) src(%dma_wait3A_35 : memref<100000x512xf32, #tpu.memory_space<hbm>>) dst(%dma_wait3A_29 : memref<128x512xf32, #tpu.memory_space<vmem>>)
    %mul3A_36 = arith.constant 128 : i32
    %mul3A_37 = arith.muli %add3A, %mul3A_36 : i32
    "tpu.region"() ({
      %run_scoped3A = tpu.sem_alloc : memref<!tpu.dma_semaphore, #tpu.memory_space<semaphore_mem>>
      %dma_start3A_38 = arith.constant 0 : i32
      %dma_start3A_39 = tpu.memref_slice %arg8[%mul3A_37, %dma_start3A_38] : memref<4096x512xf32, #tpu.memory_space<hbm>> -> memref<128x512xf32, #tpu.memory_space<hbm>>
      %dma_start3A_40 = arith.constant 0 : i32
      %dma_start3A_41 = tpu.memref_slice %arg8[%mul3A_37, %dma_start3A_40] : memref<4096x512xf32, #tpu.memory_space<hbm>> -> memref<128x512xf32, #tpu.memory_space<hbm>>
      tpu.enqueue_dma source(%arg11 : memref<128x512xf32, #tpu.memory_space<vmem>>) target(%dma_start3A_41 : memref<128x512xf32, #tpu.memory_space<hbm>>) target_semaphore(%run_scoped3A : memref<!tpu.dma_semaphore, #tpu.memory_space<semaphore_mem>>)
      %dma_wait3A_42 = arith.constant 0 : i32
      %dma_wait3A_43 = tpu.memref_slice %arg8[%mul3A_37, %dma_wait3A_42] : memref<4096x512xf32, #tpu.memory_space<hbm>> -> memref<128x512xf32, #tpu.memory_space<hbm>>
      %dma_wait3A_44 = arith.constant 0 : i32
      %dma_wait3A_45 = tpu.memref_slice %arg8[%mul3A_37, %dma_wait3A_44] : memref<4096x512xf32, #tpu.memory_space<hbm>> -> memref<128x512xf32, #tpu.memory_space<hbm>>
      tpu.wait_dma2 semaphore(%run_scoped3A : memref<!tpu.dma_semaphore, #tpu.memory_space<semaphore_mem>>) src(%arg11 : memref<128x512xf32, #tpu.memory_space<vmem>>) dst(%dma_wait3A_45 : memref<128x512xf32, #tpu.memory_space<hbm>>)
      tpu.yield
    }) : () -> ()
    return
  }
}

</mosaic_0001>

<sc_bundles>
// kernel: kernel.3.cloned.1.call-start
scs
__scs_entry_jumppad:
0x0: {  	(pc) =	sbr.rel $0x88, $3  }
0x1: {  	(tag) =	ssettag $0x0;
	lr =	simm.s32 $0x1  }
0x2: {  	[smem:$0x3F9C] =	sst lr;
	_ =	strace $0xD0000000  }
0x3: {  	_ = 	snop  }
0x4: {  	_ = 	snop  }
0x5: {  	_ = 	snop  }
0x6: {  	_ = 	snop  }
0x7: {  	_ = 	snop  }
__scs_overlays_trampoline_lowered:
0x8: {  	[smem:$0x3FAB] =	sst s0  }
0x9: {  	[smem:$0x3FAC] =	sst s1  }
0xa: {  	[smem:$0x3FAD] =	sst s2  }
0xb: {  	[smem:$0x3FAE] =	sst s3  }
0xc: {  	[smem:$0x3FAF] =	sst s4  }
0xd: {  	[smem:$0x3FB0] =	sst s5  }
0xe: {  	[smem:$0x3FB1] =	sst s6  }
0xf: {  	[smem:$0x3FB2] =	sst s7  }
0x10: {  	[smem:$0x3FB3] =	sst s8  }
0x11: {  	[smem:$0x3FB4] =	sst s9;
	s0 =	simm.s32 @!p0 $0x0  }
0x12: {  	s1 =	sld [smem:$0x3F9A];
	s0 =	simm.s32 @p0 $0x1  }
0x13: {  	[smem:$0x3FB5] =	sst s0;
	s0 =	simm.s32 @!p1 $0x0  }
0x14: {  	s2 =	sld [smem:$0x3F99];
	s0 =	simm.s32 @p1 $0x1  }
0x15: {  	[smem:$0x3FB6] =	sst s0;
	s0 =	simm.s32 @!p2 $0x0  }
0x16: {  	s3 =	sld [smem:$0x3FDB];
	s0 =	simm.s32 @p2 $0x1  }
0x17: {  	s4 =	simm.s32 $0x1BF5;
	[smem:$0x3FB8] =	sst s0  }
0x18: {  	s0 =	sld [smem:$0x3F9B];
	_ =	swait.ge [sflag:s4], $0x0  }
0x19: {  	s7 =	sld [smem:$0x3F9C]  }
0x1a: {  	s8 =	sadd.s32 $0xFFFFE003, lr  }
0x1b: {  	s9 =	sadd.s32 $0xFFFFFEF7, lr;
	s5 =	simm.s32 $0xFFFFFFFF;
	p2 =	slt.u32 s8, $0xFFFFF086  }
0x1c: {  	p1 =	slt.u32 s9, $0xF7A;
	s5 =	simm.s32 @!p2 $0x0  }
0x1d: {  	s5 =	simm.s32 @p1 $0x1;
	p0 =	seq.s32 s7, s2  }
0x1e: {  	s7 =	smul.u32 @!p0 $0xF7A, s2;
	p2 =	seq.s32 @!p0 s5, $0x0  }
0x1f: {  	s9 =	smul.u32 $0xF7A, s1;
	s8 =	simm.s32 @!p0 $0x1BF5;
	p2 =	por !p2, p0  }
0x20: {  	[sflag:s8] =	ssyncset.s32 @!p0 $0xFFFFF086;
	s6 =	sadd.s32 @!p0 s3, s7;
	s7 =	simm.s32 @!p0 $0x108  }
0x21: {  	s3 =	sadd.s32 s3, s9;
	s6 =	sadd.s32 @!p0 $0x88, s6;
	s7 =	simm.s32 @p2 $0x1082  }
0x22: {  	[simem:s7], [sflag:s8] =	dma.local @!p0 [hbm:s6], $0xF7A  }
0x23: {  	s9 =	sor.u32 $0xD0000000, s2;
	s6 =	simm.s32 $0x108;
	_ =	swait.ge @!p0 [sflag:s8], $0x0  }
0x24: {  	s3 =	sadd.s32 $0x88, s3;
	s6 =	simm.s32 @!p1 $0x1082;
	[sflag:s4] =	ssyncset.s32 $0xFFFFF086  }
0x25: {  	[simem:s6], [sflag:s4] =	dma.local [hbm:s3], $0xF7A  }
0x26: {  	[smem:$0x3F9C] =	sst s1;
	(tag) =	ssettag s2;
	_ =	strace s9  }
0x27: {  	s1 =	sld [smem:$0x3FAC]  }
0x28: {  	s2 =	sld [smem:$0x3FAD]  }
0x29: {  	s4 =	sld [smem:$0x3FAF]  }
0x2a: {  	p0 =	seq.s32 s5, $0x0;
	s5 =	sld [smem:$0x3FB0]  }
0x2b: {  	s6 =	sld [smem:$0x3FB1]  }
0x2c: {  	s7 =	sld [smem:$0x3FB2]  }
0x2d: {  	s3 =	simm.s32 $0x108;
	s8 =	sld [smem:$0x3FB3]  }
0x2e: {  	s3 =	simm.s32 @!p0 $0x1082;
	s9 =	sld [smem:$0x3FB4]  }
0x2f: {  	lr =	sadd.s32 s0, s3;
	s0 =	sld [smem:$0x3FAB]  }
0x30: {  	s3 =	sld [smem:$0x3FAE]  }
0x31: {  	[smem:$0x3FB7] =	sst s10  }
0x32: {  	s10 =	sld [smem:$0x3FB5];
	_ =	sdelay $0x3  }
0x33: {  	p0 =	seq.s32 s10, $0x1;
	s10 =	sld [smem:$0x3FB7];
	_ =	sdelay $0x3  }
0x34: {  	[smem:$0x3FB7] =	sst s10  }
0x35: {  	s10 =	sld [smem:$0x3FB6];
	_ =	sdelay $0x3  }
0x36: {  	p1 =	seq.s32 s10, $0x1;
	s10 =	sld [smem:$0x3FB7];
	_ =	sdelay $0x3  }
0x37: {  	[smem:$0x3FB7] =	sst s10  }
0x38: {  	s10 =	sld [smem:$0x3FB8]  }
0x39: {  	_ = 	snop;
	(pc) =	sbr.ind lr, $3  }
0x3a: {  	_ = 	snop  }
0x3b: {  	_ = 	snop  }
0x3c: {  	p2 =	seq.s32 s10, $0x1;
	s10 =	sld [smem:$0x3FB7]  }
0x3d: {  	_ =	shalt  }
0x3e: {  	_ =	shalt  }
0x3f: {  	_ =	shalt  }
0x40: {  	_ =	shalt  }
0x41: {  	_ =	shalt  }
0x42: {  	_ =	shalt  }
0x43: {  	_ =	shalt  }
0x44: {  	_ =	shalt  }
0x45: {  	_ =	shalt  }
0x46: {  	_ =	shalt  }
0x47: {  	_ =	shalt  }
0x48: {  	_ =	shalt  }
0x49: {  	_ =	shalt  }
0x4a: {  	_ =	shalt  }
0x4b: {  	_ =	shalt  }
0x4c: {  	_ =	shalt  }
0x4d: {  	_ =	shalt  }
0x4e: {  	_ =	shalt  }
0x4f: {  	_ =	shalt  }
0x50: {  	_ =	shalt  }
0x51: {  	_ =	shalt  }
0x52: {  	_ =	shalt  }
0x53: {  	_ =	shalt  }
0x54: {  	_ =	shalt  }
0x55: {  	_ =	shalt  }
0x56: {  	_ =	shalt  }
0x57: {  	_ =	shalt  }
0x58: {  	_ =	shalt  }
0x59: {  	_ =	shalt  }
0x5a: {  	_ =	shalt  }
0x5b: {  	_ =	shalt  }
0x5c: {  	_ =	shalt  }
0x5d: {  	_ =	shalt  }
0x5e: {  	_ =	shalt  }
0x5f: {  	_ =	shalt  }
0x60: {  	_ =	shalt  }
0x61: {  	_ =	shalt  }
0x62: {  	_ =	shalt  }
0x63: {  	_ =	shalt  }
0x64: {  	_ =	shalt  }
0x65: {  	_ =	shalt  }
0x66: {  	_ =	shalt  }
0x67: {  	_ =	shalt  }
0x68: {  	_ =	shalt  }
0x69: {  	_ =	shalt  }
0x6a: {  	_ =	shalt  }
0x6b: {  	_ =	shalt  }
0x6c: {  	_ =	shalt  }
0x6d: {  	_ =	shalt  }
0x6e: {  	_ =	shalt  }
0x6f: {  	_ =	shalt  }
0x70: {  	_ =	shalt  }
0x71: {  	_ =	shalt  }
0x72: {  	_ =	shalt  }
0x73: {  	_ =	shalt  }
0x74: {  	_ =	shalt  }
0x75: {  	_ =	shalt  }
0x76: {  	_ =	shalt  }
0x77: {  	_ =	shalt  }
0x78: {  	_ =	shalt  }
0x79: {  	_ =	shalt  }
0x7a: {  	_ =	shalt  }
0x7b: {  	_ =	shalt  }
0x7c: {  	_ =	shalt  }
0x7d: {  	_ =	shalt  }
0x7e: {  	_ =	shalt  }
0x7f: {  	_ =	shalt  }
0x80: {  	_ =	shalt  }
0x81: {  	_ =	shalt  }
0x82: {  	_ =	shalt  }
0x83: {  	_ =	shalt  }
0x84: {  	_ =	shalt  }
0x85: {  	_ =	shalt  }
0x86: {  	_ =	shalt  }
0x87: {  	_ =	shalt  }
.Lfunc_end0:
.L_simem_size_0:
called_computation.2_lowered:
.L_overlay_start_0:
0x88: {  	s2 =	sld [smem:$0x3FD9]  }
0x89: {  	s3 =	sld [smem:$0x3FFE];
	_ =	sdelay $0x1  }
0x8a: {  	s1 =	srdreg.scid  }
0x8b: {  	s0 =	sand.u32 $0x1, s1  }
0x8c: {  	s14 =	sshll.u32 s0, $0xA;
	s2 =	sadd.s32 s3, s2  }
0x8d: {  	s2 =	sadd.s32 s2, s14  }
0x8e: {  	[smem:$0x3FC3] =	sst s2  }
0x8f: {  	_ = 	snop  }
0x90: {  	s2 =	sld [smem:$0x3FD0];
	_ =	sdelay $0x2  }
0x91: {  	s4 =	simm.s32 $0xA;
	s5 =	simm.s32 $0x10;
	s15 =	sld [smem:$0x3FC9]  }
0x92: {  	[smem:s5], [sflag:s4] =	dma.local [hbm:s2], $0x1  }
0x93: {  	_ =	swait.eq [sflag:s4], $0x1  }
0x94: {  	[sflag:s4] =	ssyncset.done $0x0  }
0x95: {  	s16 =	sld [smem:$0x11];
	[sflag:s4] =	ssyncadd.s32 $0xFFFFFFFF  }
0x96: {  	s17 =	sld [smem:$0x12];
	(tm) =	ssettm $0x1  }
0x97: {  	s18 =	sld [smem:$0x3FFB];
	_ =	sdelay $0x3  }
0x98: {  	_ =	strace s18  }
0x99: {  	s5 =	sld [smem:$0x3FFC];
	_ =	sdelay $0x3  }
0x9a: {  	_ =	strace s5  }
0x9b: {  	s5 =	sld [smem:$0x3FFD];
	_ =	sdelay $0x3  }
0x9c: {  	_ =	strace s5  }
0x9d: {  	_ =	strace $0x8FFFFFFF  }
0x9e: {  	s19 =	sld [smem:$0x3FDB];
	_ =	sdelay $0x1  }
0x9f: {  	s6 =	simm.s32 $_scs_section_size  }
0xa0: {  	s7 =	simm.s32 $_size__tile_overlayer_lowered;
	s8 =	simm.s32 $_tile_overlayer_lowered  }
0xa1: {  	s22 =	simm.s32 $0x1BFF;
	s21 =	sshll.u32 s8, $0x1;
	s5 =	sadd.s32 s6, s19  }
0xa2: {  	s9 =	simm.s32 $0x0;
	s20 =	sshll.u32 s7, $0x1;
	s7 =	sadd.s32 s21, s5  }
0xa3: {  	[timem:s9], [sflag:s22] =	dma.local [hbm:s7], s20  }
0xa4: {  	_ =	swait.ge [sflag:s22], s20  }
0xa5: {  	s6 =	ssub.s32 $0x0, s20;
	[sflag:s22] =	ssyncset.done $0x0  }
0xa6: {  	[sflag:s22] =	ssyncadd.s32 s6;
	_ =	sdelay $0x1  }
0xa7: {  	s23 =	simm.s32 $0x1B8B  }
0xa8: {  	_ =	swait.ge [sflag:s23], $0x1  }
0xa9: {  	[sflag:s23] =	ssyncset.done $0x0  }
0xaa: {  	s25 =	simm.s32 $0x1B8E;
	s24 =	sld [smem:$0x3FFE];
	[sflag:s23] =	ssyncadd.s32 $0xFFFFFFFF  }
0xab: {  	s26 =	simm.s32 $execute0_lowered;
	[smem:$0x3FD2] =	sst s25  }
0xac: {  	s7 =	sshll.u32 s26, $0x1;
	_ =	strace $0x8000004C;
	[dreg:$0x1] =	wrdreg $0xFFFFFFFF  }
0xad: {  	s28 =	simm.s32 $_size_execute0_lowered;
	s5 =	sadd.s32 s5, s7;
	[dreg:$0x0] =	wrdreg $0x0  }
0xae: {  	s7 =	sshll.u32 s28, $0x1;
	[dreg:$0x2] =	wrdreg s5  }
0xaf: {  	[dreg:$0x3] =	wrdreg s7  }
0xb0: {  	[dreg:$0x4] =	wrdreg $0xC0  }
0xb1: {  	_ =	task [dreg:s9], $0x5FFFF  }
0xb2: {  	[dreg:$0x1] =	wrdreg $0xFFFFFFFF  }
0xb3: {  	[dreg:$0x0] =	wrdreg $0x60  }
0xb4: {  	[dreg:$0x2] =	wrdreg s15  }
0xb5: {  	[dreg:$0x3] =	wrdreg s24  }
0xb6: {  	[dreg:$0x4] =	wrdreg s16  }
0xb7: {  	[dreg:$0x5] =	wrdreg s17  }
0xb8: {  	[dreg:$0x6] =	wrdreg $0x9  }
0xb9: {  	_ =	task.clear_ibuf [dreg:s9], $0x7FFFF;
	_ =	strace $0x9000004C  }
0xba: {  	s29 =	simm.s32 $0x9;
	_ =	strace $0x8000004E  }
0xbb: {  	_ =	swait.ge [sflag:s29], $0x1  }
0xbc: {  	[sflag:s29] =	ssyncadd.s32 $0xFFFFFFFF  }
0xbd: {  	_ =	strace $0x9000004E  }
0xbe: {  	_ =	sfence  }
0xbf: {  	s30 =	sld [smem:$0x0];
	_ =	sdelay $0x2  }
0xc0: {  	s31 =	sshll.u32 s1, $0xD;
	s1 =	sshrl.u32 s1, $0x2  }
0xc1: {  	s3 =	sand.u32 $0x4000, s31;
	s1 =	sadd.s32 s1, s30  }
0xc2: {  	s0 =	sor.u32 s3, s0;
	s1 =	sshll.u32 s1, $0x11  }
0xc3: {  	s0 =	sor.u32 s1, s0  }
0xc4: {  	s0 =	sadd.s32 $0x8F2B, s0  }
0xc5: {  	[sflag:s0] =	ssyncadd.remote.s32 $0x1  }
0xc6: {  	_ =	sfence.sel $0xFFFF  }
0xc7: {  	[dreg:$0x0] =	wrdreg $0xFFFFFFFF;
	(pc) =	sbr.abs _section_cstart, $3  }
0xc8: {  	[dreg:$0x1] =	wrdreg $0xFFFFFFFF  }
0xc9: {  	_ =	task.clear_ibuf [dreg:s9], $0x2FFFF;
	_ =	strace $0x9FFFFFFF  }
0xca: {  	(tm) =	ssettm $0x7FFFFFFF  }
0xcb: {  	_ =	shalt  }
tec
execute0_lowered:
.L_overlay_start_1:
0x0: {  	(tag) =	ssettag $0x1  }
0x1: {  	s1 =	rddreg [dreg:$0x0]  }
0x2: {  	s5 =	rddreg [dreg:$0x1]  }
0x3: {  	s12 =	rddreg [dreg:$0x2];
	s2 =	srdreg.scid  }
0x4: {  	s0 =	stileid.u32;
	s11 =	rddreg [dreg:$0x3];
	s18 =	simm.s32 $0x11000  }
0x5: {  	s19 =	simm.s32 $0x12000;
	s20 =	simm.s32 $0x1;
	s21 =	simm.s32 $0x0  }
0x6: {  	s7 =	sand.u32 $0x1, s2;
	s3 =	sshll.u32 s0, $0x1;
	s2 =	rddreg [dreg:$0x4]  }
0x7: {  	s15 =	sadd.s32 $0x1E00, s5;
	p0 =	slt.u32 s0, $0x8;
	s13 =	sor.u32 s7, s3  }
0x8: {  	s3 =	simm.s32 $0x0;
	s9 =	ssub.s32 $0x2, s7;
	s4 =	smul.u32 $0x30D4, s13  }
0x9: {  	s10 =	sadd.s32 $0xFFFFFFF0, s13;
	[smem:$0x7FF] =	sst s3;
	s26 =	sshrl.u32 s9, $0x1  }
0xa: {  	s28 =	sshll.u32 s13, $0x1;
	s6 =	smul.u32 $0x186A0, s10;
	_ =	strace $0x8000004D  }
0xb: {  	s16 =	ssub.s32 s9, s26;
	s29 =	ssub.s32 s28, s7;
	s17 =	sshll.u32 s10, $0x9  }
0xc: {  	s8 =	sadd.s32 s4, s5;
	s4 =	sadd.s32 $0x61C600, s5;
	s9 =	sshll.u32 s29, $0x9  }
0xd: {  	s30 =	sshll.u32 s29, $0xC;
	s31 =	sand.u32 $0x1FFFFE00, s17;
	s17 =	simm.s32 $0x2  }
0xe: {  	s6 =	sshrl.u32 s6, $0x3;
	s9 =	sand.u32 $0x1FFFFE00, s9;
	s11 =	sadd.s32 s11, s31  }
0xf: {  	s14 =	sadd.s32 s6, s5;
	s5 =	sadd.s32 $0xC36E00, s8;
	s6 =	sadd.s32 $0xC98A00, s8  }
0x10: {  	s8 =	sshll.u32 s13, $0x7;
	s9 =	sadd.s32 s15, s9;
	s13 =	sshll.u32 s13, $0xD  }
0x11: {  	s7 =	sadd.s32 $0xCFA600, s14;
	s14 =	sadd.s32 $0x2000, s30;
	s12 =	sadd.s32 s12, s13  }
0x12: {  	s13 =	smax.u32 s16, $0x1;
	s16 =	simm.s32 $0x1000;
	s14 =	sshrl.u32 s14, $0x3  }
0x13: {  	s10 =	sadd.s32 s15, s14;
	s14 =	simm.s32 $0x3;
	s15 =	simm.s32 $0x80  }
.LBB2_1:
0x14: {  	[tilespmem:s3], [sflag:$0x3] =	stream.linear.gather [hbm4b:s1+s3], $0x1000, $0x38;
	[tilespmem:$0x14000] =	vst v63  }
0x15: {  	_ =	swait.ge [sflag:s14], $0x1000  }
0x16: {  	[sflag:s14] =	ssyncset.done $0x0  }
0x17: {  	[sflag:s14] =	ssyncadd.s32 $0xFFFFF000  }
0x18: {  	[tilespmem:s16], [sflag:$0x1] =	stream.indirect.gather [hbm4b:s4+s15], $0x200, s8, s15, $0xb8;
	[tilespmem:$0x14000] =	vst v63  }
0x19: {  	s24 =	simm.s32 $0x0;
	s22 =	simm.s32 $0x11000  }
0x1a: {  	[tilespmem:s22], [sflag:$0x2] =	stream.indirect.gather [hbm4b:s5+s15], $0x1, s24, s15, $0xb8;
	[tilespmem:$0x14000] =	vst v63  }
0x1b: {  	s31 =	simm.s32 $0x12000  }
0x1c: {  	[tilespmem:s31], [sflag:$0x2] =	stream.indirect.gather [hbm4b:s6+s15], $0x1, s24, s15, $0xb8;
	[tilespmem:$0x14000] =	vst v63  }
0x1d: {  	s25 =	simm.s32 @!p0 $0x13000;
	s23 =	simm.s32 @!p0 $0x2;
	s22 =	simm.s32 @!p0 $0x80  }
0x1e: {  	[tilespmem:s25], [sflag:$0x2] =	stream.indirect.gather @!p0 [hbm4b:s7+s22], $0x1, s24, s22, $0xb8;
	[tilespmem:$0x14000] =	vst v63  }
0x1f: {  	_ =	swait.ge @!p0 [sflag:s23], $0x80  }
0x20: {  	[sflag:s23] =	ssyncset.done @!p0 $0x0  }
0x21: {  	[sflag:s23] =	ssyncadd.s32 @!p0 $0xFFFFFF80  }
0x22: {  	_ =	swait.ge [sflag:s17], $0x80  }
0x23: {  	[sflag:s17] =	ssyncset.done $0x0  }
0x24: {  	[sflag:s17] =	ssyncadd.s32 $0xFFFFFF80  }
0x25: {  	s26 =	simm.s32 $0x80;
	_ =	swait.ge [sflag:s17], $0x80  }
0x26: {  	s25 =	simm.s32 $0x200;
	s24 =	simm.s32 $0x400;
	[sflag:s17] =	ssyncset.done $0x0  }
.LBB2_2:
0x27: {  	s28 =	sadd.s32 $0x11000, s26  }
0x28: {  	[sflag:s17] =	ssyncadd.s32 $0xFFFFFF80;
	s29 =	smov.u32 s24;
	s24 =	sadd.s32 $0x200, s24  }
0x29: {  	[tilespmem:s28], [sflag:$0x2] =	stream.indirect.gather [hbm4b:s5+s15], $0x1, s26, s15, $0xb8;
	[tilespmem:$0x14000] =	vst v63  }
0x2a: {  	s25 =	sshra.s32 @!p0 s25, $0x2;
	p1 =	sne.s32 s24, $0x4000;
	s28 =	sadd.s32 $0x12000, s26  }
0x2b: {  	[tilespmem:s28], [sflag:$0x2] =	stream.indirect.gather [hbm4b:s6+s15], $0x1, s26, s15, $0xb8;
	[tilespmem:$0x14000] =	vst v63  }
0x2c: {  	s25 =	sadd.s32 @!p0 $0x13000, s25  }
0x2d: {  	[tilespmem:s25], [sflag:$0x2] =	stream.indirect.gather @!p0 [hbm4b:s7+s22], $0x1, s26, s22, $0xb8;
	[tilespmem:$0x14000] =	vst v63  }
0x2e: {  	s25 =	smov.u32 s29;
	_ =	swait.ge @!p0 [sflag:s23], $0x80  }
0x2f: {  	[sflag:s23] =	ssyncset.done @!p0 $0x0  }
0x30: {  	[sflag:s23] =	ssyncadd.s32 @!p0 $0xFFFFFF80  }
.Ltmp0:
0x31: {  	_ =	swait.ge [sflag:s17], $0x80;
	(pc) =	sbr.rel @p1 .LBB2_2-.Ltmp0, $4  }
0x32: {  	[sflag:s17] =	ssyncset.done $0x0  }
0x33: {  	[sflag:s17] =	ssyncadd.s32 $0xFFFFFF80  }
0x34: {  	_ =	swait.ge [sflag:s17], $0x80  }
0x35: {  	s26 =	sshra.s32 s25, $0x2;
	[sflag:s17] =	ssyncset.done $0x0  }
0x36: {  	s22 =	sadd.s32 $0x11000, s26;
	[sflag:s17] =	ssyncadd.s32 $0xFFFFFF80  }
0x37: {  	[tilespmem:s22], [sflag:$0x2] =	stream.indirect.gather [hbm4b:s5+s15], $0x1, s26, s15, $0xb8;
	[tilespmem:$0x14000] =	vst v63  }
0x38: {  	s31 =	sadd.s32 $0x12000, s26;
	s23 =	sshra.s32 @!p0 s25, $0x2  }
0x39: {  	[tilespmem:s31], [sflag:$0x2] =	stream.indirect.gather [hbm4b:s6+s15], $0x1, s26, s15, $0xb8;
	[tilespmem:$0x14000] =	vst v63  }
0x3a: {  	s24 =	simm.s32 @!p0 $0x2;
	s22 =	sadd.s32 @!p0 $0x13000, s23;
	s23 =	simm.s32 @!p0 $0x80  }
0x3b: {  	[tilespmem:s22], [sflag:$0x2] =	stream.indirect.gather @!p0 [hbm4b:s7+s23], $0x1, s26, s23, $0xb8;
	[tilespmem:$0x14000] =	vst v63  }
0x3c: {  	_ =	swait.ge @!p0 [sflag:s24], $0x80  }
0x3d: {  	[sflag:s24] =	ssyncset.done @!p0 $0x0  }
0x3e: {  	[sflag:s24] =	ssyncadd.s32 @!p0 $0xFFFFFF80  }
0x3f: {  	_ =	swait.ge [sflag:s17], $0x80  }
0x40: {  	[sflag:s17] =	ssyncset.done $0x0  }
0x41: {  	[sflag:s17] =	ssyncadd.s32 $0xFFFFFF80  }
0x42: {  	_ =	swait.ge [sflag:s17], $0x80  }
0x43: {  	[sflag:s17] =	ssyncset.done $0x0  }
0x44: {  	[sflag:s17] =	ssyncadd.s32 $0xFFFFFF80  }
0x45: {  	[hbm4b:s9+s3] =	stream.linear.scatter [tilespmem:s18], [sflag:$0x3], $0x1000, $0x38;
	[tilespmem:$0x14000] =	vst v63  }
0x46: {  	_ =	swait.ge [sflag:s14], $0x1000  }
0x47: {  	[sflag:s14] =	ssyncset.done $0x0  }
0x48: {  	[sflag:s14] =	ssyncadd.s32 $0xFFFFF000  }
0x49: {  	[hbm4b:s10+s3] =	stream.linear.scatter [tilespmem:s19], [sflag:$0x3], $0x1000, $0x38;
	[tilespmem:$0x14000] =	vst v63  }
0x4a: {  	_ =	swait.ge [sflag:s14], $0x1000  }
0x4b: {  	[sflag:s14] =	ssyncset.done $0x0  }
0x4c: {  	s22 =	simm.s32 @!p0 $0x0;
	s23 =	simm.s32 @!p0 $0x13000;
	[sflag:s14] =	ssyncadd.s32 $0xFFFFF000  }
0x4d: {  	[hbm4b:s11+s22] =	stream.linear.scatter @!p0 [tilespmem:s23], [sflag:$0x3], $0x1000, $0x38;
	[tilespmem:$0x14000] =	vst v63  }
0x4e: {  	s22 =	simm.s32 @!p0 $0x3  }
0x4f: {  	_ =	swait.ge @!p0 [sflag:s22], $0x1000  }
0x50: {  	[sflag:s22] =	ssyncset.done @!p0 $0x0  }
0x51: {  	[sflag:s22] =	ssyncadd.s32 @!p0 $0xFFFFF000  }
0x52: {  	s21 =	sadd.s32 $0x1, s21;
	_ =	swait.ge [sflag:s20], $0x10000  }
0x53: {  	p1 =	sne.s32 s21, s13;
	[sflag:s20] =	ssyncset.done $0x0  }
.Ltmp1:
0x54: {  	[sflag:s20] =	ssyncadd.s32 $0xFFFF0000;
	(pc) =	sbr.rel @p1 .LBB2_1-.Ltmp1, $4  }
0x55: {  	[hbm4b:s12+s3] =	stream.linear.scatter [tilespmem:s16], [sflag:$0x3], $0x10000, $0x38;
	[tilespmem:$0x14000] =	vst v63  }
0x56: {  	_ =	swait.ge [sflag:s14], $0x10000  }
0x57: {  	[sflag:s14] =	ssyncset.done $0x0  }
0x58: {  	[sflag:s14] =	ssyncadd.s32 $0xFFFF0000  }
0x59: {  	_ =	sfence.sel $0x180000  }
0x5a: {  	[bflag:$0x0] =	sbarrier.arrive $0xFFFF  }
0x5b: {  	p0 =	sne.s32 s0, $0x0;
	_ =	strace $0x9000004D  }
0x5c: {  	s0 =	sadd.s32 @!p0 $0x100000, s2;
	[bflag:$0x2] =	sbarrier.arrive $0xFFFF  }
0x5d: {  	[sflag:s0] =	ssyncadd.tile.s32 @!p0 $0x1;
	_ =	shalt  }
.Lfunc_end2:
_tile_overlayer_lowered:
.L_overlay_start_2:
0x5e: {  	(tag) =	ssettag $0x2  }
0x5f: {  	s0 =	rddreg [dreg:$0x0];
	s2 =	stileid.u32  }
0x60: {  	s1 =	rddreg [dreg:$0x1];
	p0 =	sne.s32 s2, $0x0  }
0x61: {  	s3 =	rddreg [dreg:$0x2];
	[bflag:$0x3] =	sbarrier.arrive $0xFFFF;
	s2 =	simm.s32 @!p0 $0x1C03  }
0x62: {  	[timem:s3], [sflag:s2] =	dma.local @!p0 [hbm:s0], s1  }
0x63: {  	s0 =	simm.s32 @!p0 $0x3  }
0x64: {  	_ =	swait.ge @!p0 [sflag:s0], s1  }
0x65: {  	s1 =	ssub.s32 @!p0 $0x0, s1;
	[sflag:s0] =	ssyncset.done @!p0 $0x0  }
0x66: {  	[sflag:s0] =	ssyncadd.s32 @!p0 s1  }
0x67: {  	[bflag:$0x3] =	sbarrier.arrive $0xFFFF  }
0x68: {  	_ =	shalt  }

// kernel: sparse-core-data-format-call.1.cloned.1.call-start
scs
called_computation.1_lowered:
.L_overlay_start_0:
0x0: {  	s2 =	sld [smem:$0x3FD9]  }
0x1: {  	s3 =	sld [smem:$0x3FFE];
	_ =	sdelay $0x1  }
0x2: {  	s1 =	srdreg.scid  }
0x3: {  	s0 =	sand.u32 $0x1, s1  }
0x4: {  	s18 =	sshll.u32 s0, $0xA;
	s2 =	sadd.s32 s3, s2  }
0x5: {  	s2 =	sadd.s32 s2, s18  }
0x6: {  	[smem:$0x3FC3] =	sst s2  }
0x7: {  	_ = 	snop  }
0x8: {  	s2 =	sld [smem:$0x3FC6];
	(tm) =	ssettm $0x1  }
0x9: {  	s19 =	sld [smem:$0x3FFB];
	_ =	sdelay $0x3  }
0xa: {  	_ =	strace s19  }
0xb: {  	s3 =	sld [smem:$0x3FFC];
	_ =	sdelay $0x3  }
0xc: {  	_ =	strace s3  }
0xd: {  	s3 =	sld [smem:$0x3FFD];
	_ =	sdelay $0x3  }
0xe: {  	_ =	strace s3  }
0xf: {  	_ =	strace $0x8FFFFFFF  }
0x10: {  	s20 =	sld [smem:$0x3FDB];
	_ =	sdelay $0x1  }
0x11: {  	s4 =	simm.s32 $_scs_section_size  }
0x12: {  	s5 =	simm.s32 $_size__tile_overlayer_lowered;
	s6 =	simm.s32 $_tile_overlayer_lowered  }
0x13: {  	s23 =	simm.s32 $0x1BFF;
	s22 =	sshll.u32 s6, $0x1;
	s3 =	sadd.s32 s4, s20  }
0x14: {  	s7 =	simm.s32 $0x0;
	s21 =	sshll.u32 s5, $0x1;
	s5 =	sadd.s32 s22, s3  }
0x15: {  	[timem:s7], [sflag:s23] =	dma.local [hbm:s5], s21  }
0x16: {  	_ =	swait.ge [sflag:s23], s21  }
0x17: {  	s4 =	ssub.s32 $0x0, s21;
	[sflag:s23] =	ssyncset.done $0x0  }
0x18: {  	[sflag:s23] =	ssyncadd.s32 s4;
	_ =	sdelay $0x1  }
0x19: {  	s24 =	simm.s32 $0x1B8B  }
0x1a: {  	_ =	swait.ge [sflag:s24], $0x1  }
0x1b: {  	[sflag:s24] =	ssyncset.done $0x0  }
0x1c: {  	s26 =	simm.s32 $0x1B8E;
	s25 =	sld [smem:$0x3FFE];
	[sflag:s24] =	ssyncadd.s32 $0xFFFFFFFF  }
0x1d: {  	s27 =	simm.s32 $execute0_lowered;
	[smem:$0x3FD2] =	sst s26  }
0x1e: {  	s5 =	sshll.u32 s27, $0x1;
	_ =	strace $0x80000046;
	[dreg:$0x1] =	wrdreg $0xFFFFFFFF  }
0x1f: {  	s28 =	simm.s32 $_size_execute0_lowered;
	s3 =	sadd.s32 s3, s5;
	[dreg:$0x0] =	wrdreg $0x0  }
0x20: {  	s5 =	sshll.u32 s28, $0x1;
	[dreg:$0x2] =	wrdreg s3  }
0x21: {  	[dreg:$0x3] =	wrdreg s5  }
0x22: {  	[dreg:$0x4] =	wrdreg $0xC0  }
0x23: {  	_ =	task [dreg:s7], $0x5FFFF  }
0x24: {  	[dreg:$0x1] =	wrdreg $0xFFFFFFFF  }
0x25: {  	[dreg:$0x0] =	wrdreg $0x60  }
0x26: {  	[dreg:$0x2] =	wrdreg s2  }
0x27: {  	[dreg:$0x3] =	wrdreg s25  }
0x28: {  	[dreg:$0x4] =	wrdreg $0x9  }
0x29: {  	_ =	task.clear_ibuf [dreg:s7], $0x5FFFF;
	_ =	strace $0x90000046  }
0x2a: {  	s29 =	simm.s32 $0x9;
	_ =	strace $0x80000048  }
0x2b: {  	_ =	swait.ge [sflag:s29], $0x1  }
0x2c: {  	[sflag:s29] =	ssyncadd.s32 $0xFFFFFFFF  }
0x2d: {  	_ =	strace $0x90000048  }
0x2e: {  	_ =	sfence  }
0x2f: {  	s30 =	sld [smem:$0x0];
	_ =	sdelay $0x2  }
0x30: {  	s31 =	sshll.u32 s1, $0xD;
	s1 =	sshrl.u32 s1, $0x2  }
0x31: {  	s3 =	sand.u32 $0x4000, s31;
	s1 =	sadd.s32 s1, s30  }
0x32: {  	s0 =	sor.u32 s3, s0;
	s1 =	sshll.u32 s1, $0x11  }
0x33: {  	s0 =	sor.u32 s1, s0  }
0x34: {  	s0 =	sadd.s32 $0x8F2B, s0  }
0x35: {  	[sflag:s0] =	ssyncadd.remote.s32 $0x1  }
0x36: {  	_ =	sfence.sel $0xFFFF  }
0x37: {  	[dreg:$0x0] =	wrdreg $0xFFFFFFFF;
	(pc) =	sbr.abs _section_cstart, $3  }
0x38: {  	[dreg:$0x1] =	wrdreg $0xFFFFFFFF  }
0x39: {  	_ =	task.clear_ibuf [dreg:s7], $0x2FFFF;
	_ =	strace $0x9FFFFFFF  }
0x3a: {  	(tm) =	ssettm $0x7FFFFFFF  }
0x3b: {  	_ =	shalt  }
tec
execute0_lowered:
.L_overlay_start_1:
0x0: {  	(tag) =	ssettag $0x1  }
0x1: {  	s0 =	stileid.u32  }
0x2: {  	s2 =	srdreg.scid;
	s7 =	rddreg [dreg:$0x1]  }
0x3: {  	s6 =	simm.s32 $0x1;
	s31 =	simm.s32 $0x2;
	s16 =	simm.s32 $0x0  }
0x4: {  	s9 =	simm.s32 $0x1000;
	s15 =	simm.s32 $0x0;
	s10 =	simm.s32 $0x0  }
0x5: {  	s11 =	simm.s32 $0x0;
	s14 =	simm.s32 $0x0;
	s1 =	sshll.u32 s0, $0x7  }
0x6: {  	s3 =	sshll.u32 s0, $0x5;
	s4 =	sshll.u32 s2, $0x9;
	s1 =	sand.u32 $0x180, s1  }
0x7: {  	s2 =	rddreg [dreg:$0x0];
	s3 =	sor.u32 s3, s4;
	s5 =	ssub.s32 $0x200, s1  }
0x8: {  	s7 =	sadd.s32 $0x1E00, s7;
	s4 =	sand.u32 $0x380, s3;
	s29 =	sand.u32 $0x180, s5  }
0x9: {  	s30 =	ssub.s32 $0x18680, s4;
	s5 =	sshrl.u32 s5, $0x9;
	p0 =	sne.s32 s29, $0x0  }
.Ltmp0:
0xa: {  	s8 =	sshrl.u32 s30, $0xA;
	s6 =	simm.s32 @!p0 $0x0;
	(pc) =	sbr.rel .LBB1_1-.Ltmp0, $4  }
0xb: {  	s3 =	rddreg [dreg:$0x2];
	s8 =	sadd.s32 $0x1, s8;
	s6 =	sadd.s32 s6, s5  }
0xc: {  	_ =	strace $0x80000047;
	s5 =	simm.s32 $0x1;
	s6 =	smul.u32 s6, s8  }
0xd: {  	s13 =	smov.u32 s1;
	s12 =	smov.u32 s4;
	[sflag:s5] =	ssyncpa.u1 $0x0  }
0xe: {  	p0 =	por $0x0, $0x0;
	[sflag:s31] =	ssyncpa.u1 $0x0;
	s8 =	sadd.s32 $0x1, s6  }
.LBB1_4:
0xf: {  	s21 =	sshra.s32 s21, $0x2;
	s22 =	sshll.u32 s10, $0x9  }
0x10: {  	s23 =	sshll.u32 s11, $0x3;
	s24 =	sshll.u32 s10, $0x7;
	s27 =	sand.u32 $0x78, s11  }
0x11: {  	p1 =	sgt.s32 s10, $0x18620;
	s22 =	sand.u32 $0xFFFFF000, s22;
	s23 =	sand.u32 $0xFFFFFC00, s23  }
0x12: {  	s20 =	sadd.s32 s21, s20;
	s26 =	sand.u32 $0x200, s24;
	s28 =	sand.u32 $0x180, s24  }
0x13: {  	v5 =	vld [tilespmem:s18+$0xFFFFFFD0];
	[tilespmem:s19+$0x2040 ss:$0x81] =	vst.msk $0xffff, v4;
	s25 =	sadd.s32 s23, s22;
	s22 =	sor.u32 s27, s28;
	s23 =	smov.u32 s10  }
0x14: {  	v58 =	vld [tilespmem:s18+$0xFFFFFFE0];
	[tilespmem:s19+$0x2850 ss:$0x81] =	vst.msk $0xffff, v3;
	s21 =	sor.u32 s26, s25;
	s23 =	simm.s32 @!p1 $0x18620;
	s25 =	sshra.s32 s10, $0x1F  }
0x15: {  	v59 =	vld [tilespmem:s18+$0xFFFFFFF0];
	[tilespmem:s19+$0x3060 ss:$0x81] =	vst.msk $0xffff, v2;
	p1 =	sgt.s32 s11, $0x180;
	s26 =	sshra.s32 s11, $0x1F;
	s21 =	sshrl.u32 s21, $0x9  }
0x16: {  	v60 =	vld [tilespmem:s18+$0x0];
	[tilespmem:s19+$0x0 ss:$0x81] =	vst.msk $0xffff, v1;
	s30 =	sand.u32 s25, s10;
	s25 =	smov.u32 s11;
	s31 =	sand.u32 s26, s11  }
0x17: {  	v61 =	vld [tilespmem:s18+$0x10];
	[tilespmem:s20+$0x3870 ss:$0x81] =	vst.msk $0xffff, v0;
	s29 =	smulhi.u32 $0xA7C5AD, s21;
	s19 =	ssub.s32 s23, s30;
	s25 =	simm.s32 @!p1 $0x180  }
0x18: {  	v62 =	vld [tilespmem:s18+$0x20];
	[tilespmem:s20+$0x810 ss:$0x81] =	vst.msk $0xffff, v5;
	s23 =	ssub.s32 s25, s31;
	s26 =	sadd.s32 $0xFFFE79E0, s19;
	s19 =	ssub.s32 $0x186A0, s19  }
0x19: {  	v63 =	vld [tilespmem:s18+$0xFFFFFFC0];
	[tilespmem:s20+$0x1020 ss:$0x81] =	vst.msk $0xffff, v58;
	s24 =	sshrl.u32 s29, $0x8;
	p1 =	sgt.s32 s26, $0x7F;
	s28 =	sadd.s32 $0xFFFFFE80, s23  }
0x1a: {  	[tilespmem:s20+$0x1830 ss:$0x81] =	vst.msk $0xffff, v59;
	s23 =	ssub.s32 $0x200, s23;
	s27 =	smul.u32 $0x186A0, s24;
	p2 =	sgt.s32 s28, $0x7F  }
0x1b: {  	[tilespmem:s20+$0x2040 ss:$0x81] =	vst.msk $0xffff, v60;
	s30 =	sand.u32 $0x7, s11;
	s19 =	simm.s32 @p1 $0x0;
	s23 =	simm.s32 @p2 $0x0  }
0x1c: {  	[tilespmem:s20+$0x2850 ss:$0x81] =	vst.msk $0xffff, v61;
	s29 =	sshrl.u32 s22, $0x3;
	s18 =	ssub.s32 s21, s27;
	s19 =	smul.u32 s23, s19  }
0x1d: {  	[tilespmem:s20+$0x3060 ss:$0x81] =	vst.msk $0xffff, v62;
	s22 =	sshll.u32 s30, $0x12;
	s21 =	sadd.s32 s7, s29;
	s18 =	sshll.u32 s18, $0x6  }
0x1e: {  	[tilespmem:s20+$0x0 ss:$0x81] =	vst.msk $0xffff, v63;
	s31 =	sor.u32 $0x400, s22;
	s19 =	sand.u32 $0x3FFFFFFF, s19;
	s18 =	sadd.s32 s18, s21  }
0x1f: {  	[hbm4b:s18+s31] =	stream.strided.scatter [tilespmem:s17], [sflag:$0x2], s19, s9, s31, $0x20;
	[tilespmem:$0x10100] =	vst v63  }
.LBB1_5:
0x20: {  	p1 =	slt.u32 s14, $0x2  }
0x21: {  	s18 =	smov.u32 s16;
	p2 =	sgt.s32 @!p1 s16, $0x18620;
	s17 =	sshra.s32 @!p1 s16, $0x1F  }
0x22: {  	p3 =	sgt.s32 @!p1 s15, $0x180;
	s19 =	sshra.s32 @!p1 s15, $0x1F;
	p2 =	por !p2, p1  }
0x23: {  	s16 =	sand.u32 @!p1 s17, s16;
	p3 =	por !p3, p1;
	s17 =	smov.u32 s15  }
0x24: {  	s15 =	sand.u32 @!p1 s19, s15;
	s18 =	simm.s32 @p2 $0x18620;
	s17 =	simm.s32 @p3 $0x180  }
0x25: {  	s16 =	ssub.s32 @!p1 s18, s16;
	s15 =	ssub.s32 @!p1 s17, s15  }
0x26: {  	s19 =	smov.u32 s13;
	s17 =	sadd.s32 @!p1 $0xFFFE79E0, s16;
	s18 =	sadd.s32 @!p1 $0xFFFFFE80, s15  }
0x27: {  	s16 =	ssub.s32 @!p1 $0x186A0, s16;
	p2 =	sgt.s32 @!p1 s17, $0x7F;
	p3 =	sgt.s32 @!p1 s18, $0x7F  }
0x28: {  	s15 =	ssub.s32 @!p1 $0x200, s15;
	p2 =	por !p2, p1;
	p3 =	por !p3, p1  }
0x29: {  	s17 =	sadd.s32 $0x400, s12;
	s16 =	simm.s32 @!p2 $0x0;
	s15 =	simm.s32 @!p3 $0x0  }
0x2a: {  	p2 =	sgt.s32 s17, $0x1869F;
	s15 =	smul.u32 @!p1 s15, s16;
	s16 =	sadd.s32 $0x200, s13  }
0x2b: {  	s19 =	smov.u32 @p2 s16  }
0x2c: {  	s17 =	smov.u32 @p2 s4;
	p2 =	sgt.s32 s19, $0x1FF  }
0x2d: {  	s19 =	smov.u32 @p2 s1;
	p2 =	sne.s32 s14, s8  }
.Ltmp1:
0x2e: {  	p0 =	por !p0, !p0;
	s18 =	simm.s32 @!p1 $0x2;
	(pc) =	sbr.rel @!p2 .LBB1_6-.Ltmp1, $4  }
0x2f: {  	s16 =	smov.u32 s10;
	s10 =	smov.u32 s12;
	s15 =	sand.u32 @!p1 $0x3FFFFFFF, s15  }
0x30: {  	s12 =	smov.u32 s17;
	_ =	swait.ge @!p1 [sflag:s18], s15;
	s20 =	ssub.s32 @!p1 $0x0, s15  }
0x31: {  	s15 =	smov.u32 s11;
	s14 =	sadd.s32 $0x1, s14;
	[sflag:s18] =	ssyncset.done @!p1 $0x0  }
0x32: {  	s11 =	smov.u32 s13;
	s13 =	smov.u32 s19;
	[sflag:s18] =	ssyncadd.s32 @!p1 s20  }
.LBB1_1:
0x33: {  	p1 =	sge.u32 s14, s6  }
0x34: {  	s17 =	sshrl.u32 @!p1 s13, $0x3  }
0x35: {  	s18 =	sshll.u32 @!p1 s12, $0x3;
	s17 =	smul.u32 @!p1 $0xC3800, s17  }
0x36: {  	s19 =	sshll.u32 @!p1 s13, $0x7;
	s18 =	sand.u32 @!p1 $0xFFFFFC00, s18  }
0x37: {  	s17 =	sadd.s32 @!p1 s17, s18;
	s18 =	sand.u32 @!p1 $0x380, s19  }
0x38: {  	s19 =	sand.u32 @!p1 $0x7F, s12;
	s17 =	sor.u32 @!p1 s18, s17  }
0x39: {  	s18 =	sor.u32 @!p1 s19, s17  }
0x3a: {  	s19 =	smulhi.u32 @!p1 $0xA79C7B17, s18;
	_ =	sdelay $0x1  }
0x3b: {  	s17 =	smulhi.u32 @!p1 $0xA79C7B17, s17;
	s19 =	sshrl.u32 @!p1 s19, $0x10  }
0x3c: {  	s19 =	smul.u32 @!p1 $0x18700, s19  }
0x3d: {  	s31 =	sadd.s32 $0xFFFFFFFF, s14;
	s20 =	sxor.u32 @!p1 $0xFFFFFFFF, s14;
	s17 =	sshrl.u32 @!p1 s17, $0x10  }
0x3e: {  	s20 =	sshll.u32 @!p1 s20, $0xE;
	s17 =	sand.u32 @!p1 $0x1FF, s17;
	s18 =	ssub.s32 @!p1 s18, s19  }
0x3f: {  	s17 =	smul.u32 @!p1 $0x30E0, s17;
	s19 =	sshrl.u32 @!p1 s18, $0x3;
	s18 =	sand.u32 @!p1 $0x7, s18  }
0x40: {  	s20 =	sand.u32 @!p1 $0x4000, s20;
	s19 =	sadd.s32 @!p1 s2, s19;
	s18 =	sshll.u32 @!p1 s18, $0x12  }
0x41: {  	s17 =	sadd.s32 @!p1 s17, s19;
	s18 =	sor.u32 @!p1 $0x400, s18;
	s19 =	simm.s32 @!p1 $0xC3800  }
0x42: {  	[tilespmem:s20], [sflag:$0x1] =	stream.strided.gather @!p1 [hbm4b:s17+s18], $0x4000, s19, s18, $0x38;
	[tilespmem:$0x10100] =	vst v63  }
0x43: {  	p1 =	sge.u32 s31, s6  }
.Ltmp2:
0x44: {  	_ = 	snop;
	(pc) =	sbr.rel @p1 .LBB1_5-.Ltmp2, $1  }
0x45: {  	_ =	sdelay $0x3  }
0x46: {  	s17 =	simm.s32 $0x1  }
0x47: {  	_ =	swait.ge [sflag:s5], $0x4000;
	s17 =	simm.s32 @!p0 $0x0  }
0x48: {  	[sflag:s5] =	ssyncset.done $0x0;
	s18 =	sshll.u32 s17, $0xE  }
0x49: {  	[sflag:s5] =	ssyncadd.s32 $0xFFFFC000;
	s18 =	sor.u32 $0x40, s18  }
0x4a: {  	s17 =	smul.u32 $0x10200, s17;
	v0 =	vld [tilespmem:s18+$0x30]  }
0x4b: {  	v1 =	vld [tilespmem:s18+$0xFFFFFFD0]  }
0x4c: {  	s17 =	sshrl.u32 s17, $0x2;
	v5 =	vld [tilespmem:s18+$0xFFFFFFE0]  }
0x4d: {  	v6 =	vld [tilespmem:s18+$0xFFFFFFF0];
	s20 =	sor.u32 $0x8000, s17  }
0x4e: {  	s31 =	sand.u32 $0x1, s14;
	v4 =	vld [tilespmem:s18+$0x0];
	s19 =	sadd.s32 $0x0, s20  }
0x4f: {  	v3 =	vld [tilespmem:s18+$0x10];
	s17 =	smul.u32 $0x10200, s31;
	[tilespmem:s19+$0x3870 ss:$0x81] =	vst.msk $0xffff, v0  }
0x50: {  	v2 =	vld [tilespmem:s18+$0x20];
	[tilespmem:s19+$0x810 ss:$0x81] =	vst.msk $0xffff, v1  }
0x51: {  	s17 =	sshrl.u32 s17, $0x2;
	v1 =	vld [tilespmem:s18+$0xFFFFFFC0];
	[tilespmem:s19+$0x1020 ss:$0x81] =	vst.msk $0xffff, v5;
	s18 =	sadd.s32 $0x80, s18  }
0x52: {  	s21 =	simm.s32 $0x4;
	s22 =	simm.s32 $0x8;
	s17 =	sor.u32 $0x8000, s17;
	[tilespmem:s19+$0x1830 ss:$0x81] =	vst.msk $0xffff, v6;
	v0 =	vld [tilespmem:s18+$0x30]  }
.LBB1_3:
0x53: {  	p1 =	sne.s32 s22, $0x1FC;
	v5 =	vld [tilespmem:s18+$0xFFFFFFD0];
	[tilespmem:s19+$0x2040 ss:$0x81] =	vst.msk $0xffff, v4  }
0x54: {  	v6 =	vld [tilespmem:s18+$0xFFFFFFE0];
	[tilespmem:s19+$0x2850 ss:$0x81] =	vst.msk $0xffff, v3  }
0x55: {  	s23 =	sshra.s32 s21, $0x2;
	s21 =	smov.u32 s22;
	v7 =	vld [tilespmem:s18+$0xFFFFFFF0];
	[tilespmem:s19+$0x3060 ss:$0x81] =	vst.msk $0xffff, v2  }
.Ltmp3:
0x56: {  	v4 =	vld [tilespmem:s18+$0x0];
	[tilespmem:s19+$0x0 ss:$0x81] =	vst.msk $0xffff, v1;
	s19 =	sadd.s32 s23, s20;
	(pc) =	sbr.rel @p1 .LBB1_3-.Ltmp3, $4  }
0x57: {  	v3 =	vld [tilespmem:s18+$0x10];
	[tilespmem:s19+$0x3870 ss:$0x81] =	vst.msk $0xffff, v0  }
0x58: {  	[tilespmem:s19+$0x810 ss:$0x81] =	vst.msk $0xffff, v5;
	v2 =	vld [tilespmem:s18+$0x20]  }
0x59: {  	v1 =	vld [tilespmem:s18+$0xFFFFFFC0];
	[tilespmem:s19+$0x1020 ss:$0x81] =	vst.msk $0xffff, v6;
	s18 =	sadd.s32 $0x80, s18  }
0x5a: {  	s22 =	sadd.s32 $0x4, s22;
	v0 =	vld [tilespmem:s18+$0x30];
	[tilespmem:s19+$0x1830 ss:$0x81] =	vst.msk $0xffff, v7  }
.Ltmp4:
0x5b: {  	_ = 	snop;
	(pc) =	sbr.rel .LBB1_4-.Ltmp4, $1  }
0x5c: {  	_ =	sdelay $0x3  }
.LBB1_6:
0x5d: {  	_ =	sfence.sel $0x180000  }
0x5e: {  	s1 =	simm.s32 $0x1;
	[bflag:$0x0] =	sbarrier.arrive $0xFFFF  }
0x5f: {  	s31 =	simm.s32 $0x2;
	[sflag:s1] =	ssyncpa.u1 $0x1  }
0x60: {  	[sflag:s31] =	ssyncpa.u1 $0x1  }
0x61: {  	p0 =	sne.s32 s0, $0x0;
	_ =	strace $0x90000047  }
0x62: {  	s0 =	sadd.s32 @!p0 $0x100000, s3;
	[bflag:$0x2] =	sbarrier.arrive $0xFFFF  }
0x63: {  	[sflag:s0] =	ssyncadd.tile.s32 @!p0 $0x1;
	_ =	shalt  }
.Lfunc_end1:
_tile_overlayer_lowered:
.L_overlay_start_2:
0x64: {  	(tag) =	ssettag $0x2  }
0x65: {  	s0 =	rddreg [dreg:$0x0];
	s2 =	stileid.u32  }
0x66: {  	s1 =	rddreg [dreg:$0x1];
	p0 =	sne.s32 s2, $0x0  }
0x67: {  	s3 =	rddreg [dreg:$0x2];
	[bflag:$0x3] =	sbarrier.arrive $0xFFFF;
	s2 =	simm.s32 @!p0 $0x1C01  }
0x68: {  	[timem:s3], [sflag:s2] =	dma.local @!p0 [hbm:s0], s1  }
0x69: {  	s0 =	simm.s32 @!p0 $0x1  }
0x6a: {  	_ =	swait.ge @!p0 [sflag:s0], s1  }
0x6b: {  	s1 =	ssub.s32 @!p0 $0x0, s1;
	[sflag:s0] =	ssyncset.done @!p0 $0x0  }
0x6c: {  	[sflag:s0] =	ssyncadd.s32 @!p0 s1  }
0x6d: {  	[bflag:$0x3] =	sbarrier.arrive $0xFFFF  }
0x6e: {  	_ =	shalt  }

// kernel: sparse-core-data-format-call.cloned.1.call-start
scs
called_computation_lowered:
.L_overlay_start_0:
0x0: {  	s1 =	sld [smem:$0x3FD9]  }
0x1: {  	s2 =	sld [smem:$0x3FFE];
	_ =	sdelay $0x1  }
0x2: {  	s3 =	srdreg.scid  }
0x3: {  	s0 =	sand.u32 $0x1, s3  }
0x4: {  	s17 =	sshll.u32 s0, $0xA;
	s1 =	sadd.s32 s2, s1  }
0x5: {  	s1 =	sadd.s32 s1, s17  }
0x6: {  	[smem:$0x3FC3] =	sst s1  }
0x7: {  	_ = 	snop  }
0x8: {  	(tm) =	ssettm $0x1  }
0x9: {  	s18 =	sld [smem:$0x3FFB];
	_ =	sdelay $0x3  }
0xa: {  	_ =	strace s18  }
0xb: {  	s1 =	sld [smem:$0x3FFC];
	_ =	sdelay $0x3  }
0xc: {  	_ =	strace s1  }
0xd: {  	s1 =	sld [smem:$0x3FFD];
	_ =	sdelay $0x3  }
0xe: {  	_ =	strace s1  }
0xf: {  	_ =	strace $0x8FFFFFFF  }
0x10: {  	s19 =	sld [smem:$0x3FDB];
	_ =	sdelay $0x1  }
0x11: {  	s20 =	simm.s32 $_scs_section_size  }
0x12: {  	s4 =	simm.s32 $_size__tile_overlayer_lowered;
	s5 =	simm.s32 $_tile_overlayer_lowered  }
0x13: {  	s23 =	simm.s32 $0x1BFF;
	s22 =	sshll.u32 s5, $0x1;
	s1 =	sadd.s32 s20, s19  }
0x14: {  	s6 =	simm.s32 $0x0;
	s21 =	sshll.u32 s4, $0x1;
	s4 =	sadd.s32 s22, s1  }
0x15: {  	[timem:s6], [sflag:s23] =	dma.local [hbm:s4], s21  }
0x16: {  	_ =	swait.ge [sflag:s23], s21  }
0x17: {  	s2 =	ssub.s32 $0x0, s21;
	[sflag:s23] =	ssyncset.done $0x0  }
0x18: {  	[sflag:s23] =	ssyncadd.s32 s2;
	_ =	sdelay $0x1  }
0x19: {  	s24 =	simm.s32 $0x1B8B  }
0x1a: {  	_ =	swait.ge [sflag:s24], $0x1  }
0x1b: {  	[sflag:s24] =	ssyncset.done $0x0  }
0x1c: {  	s26 =	simm.s32 $0x1B8E;
	s25 =	sld [smem:$0x3FFE];
	[sflag:s24] =	ssyncadd.s32 $0xFFFFFFFF  }
0x1d: {  	s27 =	simm.s32 $execute0_lowered;
	[smem:$0x3FD2] =	sst s26  }
0x1e: {  	s4 =	sshll.u32 s27, $0x1;
	_ =	strace $0x80000049;
	[dreg:$0x1] =	wrdreg $0xFFFFFFFF  }
0x1f: {  	s28 =	simm.s32 $_size_execute0_lowered;
	s1 =	sadd.s32 s1, s4;
	[dreg:$0x0] =	wrdreg $0x0  }
0x20: {  	s4 =	sshll.u32 s28, $0x1;
	[dreg:$0x2] =	wrdreg s1  }
0x21: {  	[dreg:$0x3] =	wrdreg s4  }
0x22: {  	[dreg:$0x4] =	wrdreg $0xC0  }
0x23: {  	_ =	task [dreg:s6], $0x5FFFF  }
0x24: {  	[dreg:$0x1] =	wrdreg $0xFFFFFFFF  }
0x25: {  	[dreg:$0x0] =	wrdreg $0x60  }
0x26: {  	[dreg:$0x2] =	wrdreg s25  }
0x27: {  	[dreg:$0x3] =	wrdreg $0x9  }
0x28: {  	_ =	task.clear_ibuf [dreg:s6], $0x4FFFF;
	_ =	strace $0x90000049  }
0x29: {  	s29 =	simm.s32 $0x9;
	_ =	strace $0x8000004B  }
0x2a: {  	_ =	swait.ge [sflag:s29], $0x1  }
0x2b: {  	[sflag:s29] =	ssyncadd.s32 $0xFFFFFFFF  }
0x2c: {  	_ =	strace $0x9000004B  }
0x2d: {  	_ =	sfence  }
0x2e: {  	s30 =	sld [smem:$0x0];
	_ =	sdelay $0x2  }
0x2f: {  	s31 =	sshll.u32 s3, $0xD;
	s3 =	sshrl.u32 s3, $0x2  }
0x30: {  	s2 =	sand.u32 $0x4000, s31;
	s1 =	sadd.s32 s3, s30  }
0x31: {  	s0 =	sor.u32 s2, s0;
	s1 =	sshll.u32 s1, $0x11  }
0x32: {  	s0 =	sor.u32 s1, s0  }
0x33: {  	s0 =	sadd.s32 $0x8F2B, s0  }
0x34: {  	[sflag:s0] =	ssyncadd.remote.s32 $0x1  }
0x35: {  	_ =	sfence.sel $0xFFFF  }
0x36: {  	[dreg:$0x0] =	wrdreg $0xFFFFFFFF;
	(pc) =	sbr.abs _section_cstart, $3  }
0x37: {  	[dreg:$0x1] =	wrdreg $0xFFFFFFFF  }
0x38: {  	_ =	task.clear_ibuf [dreg:s6], $0x2FFFF;
	_ =	strace $0x9FFFFFFF  }
0x39: {  	(tm) =	ssettm $0x7FFFFFFF  }
tec
execute0_lowered:
.L_overlay_start_1:
0x0: {  	(tag) =	ssettag $0x1  }
0x1: {  	s0 =	srdreg.scid  }
0x2: {  	s1 =	sshll.u32 s0, $0x4  }
0x3: {  	s4 =	rddreg [dreg:$0x0];
	s0 =	stileid.u32;
	s1 =	sand.u32 $0x10, s1  }
0x4: {  	s7 =	simm.s32 $0x1;
	s8 =	simm.s32 $0x2;
	s1 =	sor.u32 s0, s1  }
0x5: {  	s9 =	simm.s32 $0x0;
	s12 =	simm.s32 $0x0;
	s2 =	sshll.u32 s1, $0x2  }
0x6: {  	s11 =	simm.s32 $0x0;
	s3 =	sadd.s32 $0x1E00, s4;
	s6 =	ssub.s32 $0x30D4, s2  }
.Ltmp0:
0x7: {  	s4 =	sadd.s32 $0x61C600, s4;
	s5 =	sand.u32 $0x7C, s6;
	(pc) =	sbr.rel .LBB1_1-.Ltmp0, $4  }
0x8: {  	s1 =	rddreg [dreg:$0x1];
	_ =	strace $0x8000004A;
	p0 =	sne.s32 s5, $0x0  }
0x9: {  	s6 =	sshrl.u32 s6, $0x7;
	s5 =	simm.s32 $0x1;
	s7 =	simm.s32 @!p0 $0x0  }
0xa: {  	s10 =	smov.u32 s2;
	[sflag:s5] =	ssyncpa.u1 $0x0;
	s6 =	sadd.s32 s7, s6  }
0xb: {  	[sflag:s8] =	ssyncpa.u1 $0x0;
	s8 =	simm.s32 $0x0;
	s7 =	sadd.s32 $0x1, s6  }
.LBB1_9:
0xc: {  	s14 =	sadd.s32 $0x80, s10  }
0xd: {  	p1 =	sgt.s32 s14, $0x30D3  }
0xe: {  	s14 =	smov.u32 @p1 s2;
	p1 =	sne.s32 s11, s7  }
.Ltmp1:
0xf: {  	p0 =	slt.u32 s11, $0x2;
	(pc) =	sbr.rel @!p1 .LBB1_10-.Ltmp1, $4  }
0x10: {  	s13 =	simm.s32 @!p0 $0x2  }
0x11: {  	s15 =	sadd.s32 $0x1, s11;
	_ =	swait.ge @!p0 [sflag:s13], $0x4000  }
0x12: {  	s12 =	smov.u32 s10;
	s9 =	sadd.s32 $0x4000, s9;
	[sflag:s13] =	ssyncset.done @!p0 $0x0  }
0x13: {  	s11 =	smov.u32 s15;
	s10 =	smov.u32 s14;
	[sflag:s13] =	ssyncadd.s32 @!p0 $0xFFFFC000  }
.LBB1_1:
0x14: {  	p0 =	sge.u32 s11, s6  }
0x15: {  	s13 =	sxor.u32 @!p0 $0xFFFFFFFF, s11  }
0x16: {  	s31 =	sadd.s32 $0xFFFFFFFF, s11;
	s14 =	sshll.u32 @!p0 s10, $0x9;
	s13 =	sshll.u32 @!p0 s13, $0xE  }
0x17: {  	s15 =	simm.s32 @!p0 $0x0;
	s14 =	sadd.s32 @!p0 s3, s14;
	s13 =	sand.u32 @!p0 $0x4000, s13  }
0x18: {  	[tilespmem:s13], [sflag:$0x1] =	stream.linear.gather @!p0 [hbm4b:s14+s15], $0x4000, $0x38;
	[tilespmem:$0x10000] =	vst v63  }
0x19: {  	p0 =	sge.u32 s31, s6  }
.Ltmp2:
0x1a: {  	_ = 	snop;
	(pc) =	sbr.rel @p0 .LBB1_9-.Ltmp2, $1  }
0x1b: {  	_ =	sdelay $0x3  }
0x1c: {  	s14 =	sand.u32 $0x4000, s9  }
0x1d: {  	_ =	swait.ge [sflag:s5], $0x4000;
	s15 =	sshll.u32 s11, $0xE;
	s16 =	simm.s32 $0x0  }
0x1e: {  	s13 =	sor.u32 $0x40, s14;
	[sflag:s5] =	ssyncset.done $0x0;
	s15 =	sand.u32 $0x4000, s15  }
0x1f: {  	s14 =	sor.u32 $0x8040, s14;
	[sflag:s5] =	ssyncadd.s32 $0xFFFFC000;
	s15 =	sor.u32 $0x8000, s15  }
.LBB1_3:
0x20: {  	s17 =	smov.u32 s14;
	s18 =	smov.u32 s13;
	s19 =	simm.s32 $0x0  }
.LBB1_4:
0x21: {  	v0 =	vmov s17;
	v2 =	vld [tilespmem:s18+$0x30]  }
0x22: {  	v4 =	vld [tilespmem:s18+$0xFFFFFFD0]  }
0x23: {  	v6 =	vld [tilespmem:s18+$0xFFFFFFE0]  }
0x24: {  	v7 =	vld [tilespmem:s18+$0xFFFFFFF0]  }
0x25: {  	s20 =	simm.s32 $0x0;
	v1 =	vld [tilespmem:s18+$0x0]  }
0x26: {  	v3 =	vld [tilespmem:s18+$0x10];
	[tilespmem:v0+s20+$0x30 ss:$0x1] =	vst.idx.msk $0xffff, v2  }
0x27: {  	v5 =	vld [tilespmem:s18+$0x20];
	[tilespmem:v0+s20+$0xFFFFFFD0 ss:$0x1] =	vst.idx.msk $0xffff, v4  }
0x28: {  	s21 =	sadd.s32 $0x80, s18;
	v2 =	vld [tilespmem:s18+$0xFFFFFFC0];
	[tilespmem:v0+s20+$0xFFFFFFE0 ss:$0x1] =	vst.idx.msk $0xffff, v6  }
0x29: {  	s22 =	simm.s32 $0x800;
	s23 =	simm.s32 $0x1000;
	v4 =	vld [tilespmem:s21+$0x30];
	[tilespmem:v0+s20+$0xFFFFFFF0 ss:$0x1] =	vst.idx.msk $0xffff, v7  }
.LBB1_5:
0x2a: {  	p0 =	sne.s32 s23, $0x3800;
	v6 =	vld [tilespmem:s21+$0xFFFFFFD0];
	[tilespmem:v0+s20+$0x0 ss:$0x1] =	vst.idx.msk $0xffff, v1  }
0x2b: {  	v7 =	vld [tilespmem:s21+$0xFFFFFFE0];
	[tilespmem:v0+s20+$0x10 ss:$0x1] =	vst.idx.msk $0xffff, v3  }
0x2c: {  	v8 =	vld [tilespmem:s21+$0xFFFFFFF0];
	[tilespmem:v0+s20+$0x20 ss:$0x1] =	vst.idx.msk $0xffff, v5  }
.Ltmp3:
0x2d: {  	v1 =	vld [tilespmem:s21+$0x0];
	[tilespmem:v0+s20+$0xFFFFFFC0 ss:$0x1] =	vst.idx.msk $0xffff, v2;
	s20 =	sshra.s32 s22, $0x2;
	s22 =	smov.u32 s23;
	(pc) =	sbr.rel @p0 .LBB1_5-.Ltmp3, $4  }
0x2e: {  	v3 =	vld [tilespmem:s21+$0x10];
	[tilespmem:v0+s20+$0x30 ss:$0x1] =	vst.idx.msk $0xffff, v4  }
0x2f: {  	[tilespmem:v0+s20+$0xFFFFFFD0 ss:$0x1] =	vst.idx.msk $0xffff, v6;
	v5 =	vld [tilespmem:s21+$0x20]  }
0x30: {  	v2 =	vld [tilespmem:s21+$0xFFFFFFC0];
	[tilespmem:v0+s20+$0xFFFFFFE0 ss:$0x1] =	vst.idx.msk $0xffff, v7;
	s21 =	sadd.s32 $0x80, s21  }
0x31: {  	s23 =	sadd.s32 $0x800, s23;
	v4 =	vld [tilespmem:s21+$0x30];
	[tilespmem:v0+s20+$0xFFFFFFF0 ss:$0x1] =	vst.idx.msk $0xffff, v8  }
0x32: {  	_ =	sdelay $0x3  }
0x33: {  	v6 =	vld [tilespmem:s21+$0xFFFFFFD0];
	[tilespmem:v0+s20+$0x0 ss:$0x1] =	vst.idx.msk $0xffff, v1  }
0x34: {  	v58 =	vld [tilespmem:s21+$0xFFFFFFE0];
	[tilespmem:v0+s20+$0x10 ss:$0x1] =	vst.idx.msk $0xffff, v3  }
0x35: {  	v59 =	vld [tilespmem:s21+$0xFFFFFFF0];
	[tilespmem:v0+s20+$0x20 ss:$0x1] =	vst.idx.msk $0xffff, v5  }
0x36: {  	s22 =	sshra.s32 s22, $0x2;
	v60 =	vld [tilespmem:s21+$0x0];
	[tilespmem:v0+s20+$0xFFFFFFC0 ss:$0x1] =	vst.idx.msk $0xffff, v2  }
0x37: {  	v61 =	vld [tilespmem:s21+$0x10];
	[tilespmem:v0+s22+$0x30 ss:$0x1] =	vst.idx.msk $0xffff, v4  }
0x38: {  	v62 =	vld [tilespmem:s21+$0x20];
	s19 =	sadd.s32 $0x1, s19;
	[tilespmem:v0+s22+$0xFFFFFFD0 ss:$0x1] =	vst.idx.msk $0xffff, v6  }
0x39: {  	v63 =	vld [tilespmem:s21+$0xFFFFFFC0];
	p0 =	sne.s32 s19, $0x4;
	[tilespmem:v0+s22+$0xFFFFFFE0 ss:$0x1] =	vst.idx.msk $0xffff, v58  }
.Ltmp4:
0x3a: {  	[tilespmem:v0+s22+$0xFFFFFFF0 ss:$0x1] =	vst.idx.msk $0xffff, v59;
	(pc) =	sbr.rel @p0 .LBB1_4-.Ltmp4, $4  }
0x3b: {  	[tilespmem:v0+s22+$0x0 ss:$0x1] =	vst.idx.msk $0xffff, v60  }
0x3c: {  	[tilespmem:v0+s22+$0x10 ss:$0x1] =	vst.idx.msk $0xffff, v61  }
0x3d: {  	[tilespmem:v0+s22+$0x20 ss:$0x1] =	vst.idx.msk $0xffff, v62  }
0x3e: {  	s18 =	sadd.s32 $0x400, s18;
	s17 =	sadd.s32 $0x80, s17;
	[tilespmem:v0+s22+$0xFFFFFFC0 ss:$0x1] =	vst.idx.msk $0xffff, v63  }
0x3f: {  	s16 =	sadd.s32 $0x1, s16  }
0x40: {  	p0 =	sne.s32 s16, $0x4  }
.Ltmp5:
0x41: {  	_ = 	snop;
	(pc) =	sbr.rel @p0 .LBB1_3-.Ltmp5, $2  }
0x42: {  	_ =	sdelay $0x2  }
0x43: {  	s13 =	sadd.s32 $0x1000, s13;
	s14 =	sadd.s32 $0x1000, s14  }
.Ltmp6:
0x44: {  	(pc) =	sbr.rel .LBB1_9-.Ltmp6, $4  }
0x45: {  	_ = 	snop  }
0x46: {  	s12 =	sshll.u32 s12, $0x9  }
0x47: {  	s12 =	sadd.s32 s4, s12  }
0x48: {  	[hbm4b:s12+s8] =	stream.linear.scatter [tilespmem:s15], [sflag:$0x2], $0x4000, $0x38;
	[tilespmem:$0x10000] =	vst v63  }
.LBB1_10:
0x49: {  	_ =	sfence.sel $0x180000  }
0x4a: {  	s2 =	simm.s32 $0x1;
	[bflag:$0x0] =	sbarrier.arrive $0xFFFF  }
0x4b: {  	s31 =	simm.s32 $0x2;
	[sflag:s2] =	ssyncpa.u1 $0x1  }
0x4c: {  	[sflag:s31] =	ssyncpa.u1 $0x1  }
0x4d: {  	p0 =	sne.s32 s0, $0x0;
	_ =	strace $0x9000004A  }
0x4e: {  	s0 =	sadd.s32 @!p0 $0x100000, s1;
	[bflag:$0x2] =	sbarrier.arrive $0xFFFF  }
0x4f: {  	[sflag:s0] =	ssyncadd.tile.s32 @!p0 $0x1;
	_ =	shalt  }
.Lfunc_end1:
_tile_overlayer_lowered:
.L_overlay_start_2:
0x50: {  	(tag) =	ssettag $0x2  }
0x51: {  	s0 =	rddreg [dreg:$0x0];
	s2 =	stileid.u32  }
0x52: {  	s1 =	rddreg [dreg:$0x1];
	p0 =	sne.s32 s2, $0x0  }
0x53: {  	s3 =	rddreg [dreg:$0x2];
	[bflag:$0x3] =	sbarrier.arrive $0xFFFF;
	s2 =	simm.s32 @!p0 $0x1C01  }
0x54: {  	[timem:s3], [sflag:s2] =	dma.local @!p0 [hbm:s0], s1  }
0x55: {  	s0 =	simm.s32 @!p0 $0x1  }
0x56: {  	_ =	swait.ge @!p0 [sflag:s0], s1  }
0x57: {  	s1 =	ssub.s32 @!p0 $0x0, s1;
	[sflag:s0] =	ssyncset.done @!p0 $0x0  }
0x58: {  	[sflag:s0] =	ssyncadd.s32 @!p0 s1  }
0x59: {  	[bflag:$0x3] =	sbarrier.arrive $0xFFFF  }
0x5a: {  	_ =	shalt  }

</sc_bundles>
